<compile_context>
chip_gen: v7x
topology: tpu7x:2x2x1
jax: 0.10.2.dev20260603
libtpu: 0.0.44.dev20260713+nightly
codegen_flags: <defaults>
</compile_context>

<pallas_src>
import functools

import jax
import jax.numpy as jnp
from jax import lax
from jax.experimental import pallas as pl
from jax.experimental.pallas import tpu as pltpu
from jax.experimental.pallas import tpu_sc as plsc

B, T, H = 64, 2048, 256
NBINS, OUT, FILT, K = 256, 256, 256, 3
_EPS = 1e-5

_NC, _NS, _L = 2, 16, 16
_NW = _NC * _NS
_N = B * T
_RPW = _N // _NW
_CH = 128
_NCHUNK = _RPW // _CH


def _im2col3(x, pad_row):
    prv = jnp.concatenate([pad_row, x[:-1]], axis=0)
    nxt = jnp.concatenate([x[1:], pad_row], axis=0)
    return jnp.concatenate([prv, x, nxt], axis=1)


def _rowstats(h):
    mu = jnp.mean(h, axis=-1, keepdims=True)
    m2 = jnp.mean(h * h, axis=-1, keepdims=True)
    return mu, jax.lax.rsqrt(m2 - mu * mu + _EPS)


def _pred_kernel(x_ref, mask_ref, et_ref, elo_ref, ehi_ref, eemb_ref,
                 w1_ref, b1_ref,
                 p_w2, p_b2, p_pad, p_lwg, p_sc,
                 e_w2, e_b2, e_pad, e_lwg, e_sc,
                 ppred_ref, epred_ref, eembo_ref):
    bf16 = jnp.bfloat16
    x = x_ref[0].astype(bf16)
    mask = mask_ref[0]
    zrow = jnp.zeros((1, H), bf16)

    xs = _im2col3(x, zrow)
    h12 = jnp.dot(xs, w1_ref[:, :], preferred_element_type=jnp.float32)
    h12 = jax.nn.relu(h12 + b1_ref[:, :])

    def head(h, w2, b2, pad, lwg, sc):
        mu, r = _rowstats(h)
        z = (h * r - mu * r).astype(bf16)
        zim = _im2col3(z, pad[:, :].astype(bf16))
        h2 = jnp.dot(zim, w2[:, :], preferred_element_type=jnp.float32)
        h2 = jax.nn.relu(h2 + b2[:, :])
        mu2, r2 = _rowstats(h2)
        s1 = jnp.sum(h2 * lwg[:, :], axis=-1, keepdims=True)
        pred = r2 * (s1 - mu2 * sc[0, 0]) + sc[0, 1]
        return jnp.where(mask > 0.0, 0.0, pred)

    ppred_ref[0] = head(h12[:, :FILT], p_w2, p_b2, p_pad, p_lwg, p_sc)
    epred_ref[0] = head(h12[:, FILT:], e_w2, e_b2, e_pad, e_lwg, e_sc)

    ev = et_ref[0]
    oh = ((ev > elo_ref[:, :]) & (ev <= ehi_ref[:, :])).astype(jnp.bfloat16)
    eembo_ref[0] = jnp.dot(oh, eemb_ref[:, :],
                           preferred_element_type=jnp.float32)


def _bucketize_kernel(pt_ref, pbins_ref, pidx_ref):
    pcnt = jnp.sum((pt_ref[:, :] > pbins_ref[:, :]).astype(jnp.float32),
                   axis=-1, keepdims=True)
    pidx_ref[:, :] = pcnt.astype(jnp.int32)


def _lookup_body(pidx_hbm, ptab_hbm, pout_hbm,
                 idx_v, buf0, buf1, semg0, semg1, semw0, semw1):
    wid = lax.axis_index("s") * _NC + lax.axis_index("c")
    wbase = wid * _RPW
    last = _NCHUNK - 1

    for idx_hbm, tab_hbm, out_hbm in ((pidx_hbm, ptab_hbm, pout_hbm),):
        pltpu.sync_copy(idx_hbm.at[pl.ds(wid * _NCHUNK, _NCHUNK)], idx_v)

        def startg(c, buf, sem):
            pltpu.async_copy(tab_hbm.at[idx_v.at[c]], buf, sem)

        def waitg(buf, sem):
            pltpu.make_async_copy(tab_hbm.at[idx_v.at[0]], buf, sem).wait()

        def startw(c, buf, sem):
            pltpu.async_copy(buf, out_hbm.at[pl.ds(wbase + c * _CH, _CH)],
                             sem)

        def waitw(c, buf, sem):
            pltpu.make_async_copy(
                buf, out_hbm.at[pl.ds(wbase + c * _CH, _CH)], sem).wait()

        startg(0, buf0, semg0)
        startg(1, buf1, semg1)

        def body(g, tok):
            c0 = 2 * g
            c1 = c0 + 1
            waitg(buf0, semg0)
            startw(c0, buf0, semw0)
            waitg(buf1, semg1)
            startw(c1, buf1, semw1)
            waitw(c0, buf0, semw0)
            startg(jnp.minimum(c0 + 2, last), buf0, semg0)
            waitw(c1, buf1, semw1)
            startg(jnp.minimum(c1 + 2, last), buf1, semg1)
            return tok

        lax.fori_loop(0, _NCHUNK // 2, body, 0)
        waitg(buf0, semg0)
        waitg(buf1, semg1)


def _row2(a):
    return a.reshape(1, -1)


def kernel(embeddings, src_mask, pitch_target, energy_target, pitch_bins,
           energy_bins, pitch_emb, energy_emb, p_params, e_params):
    f32, bf16 = jnp.float32, jnp.bfloat16
    mask_f = src_mask.astype(f32).reshape(B, T, 1)

    inf = jnp.full((1,), jnp.inf, f32)
    pbins = jnp.concatenate([pitch_bins, inf]).reshape(1, NBINS)
    ebins = jnp.concatenate([energy_bins, inf]).reshape(1, NBINS)

    whole = lambda shape: pl.BlockSpec(shape, lambda i: (0,) * len(shape))
    per_b3 = lambda shape: pl.BlockSpec(shape, lambda i: (i, 0, 0))

    _NROW = _N // 32
    rowblk = pl.BlockSpec((_NROW, 1), lambda i: (i, 0))
    pidx, = pl.pallas_call(
        _bucketize_kernel,
        grid=(32,),
        in_specs=[rowblk, whole((1, NBINS))],
        out_specs=[rowblk],
        out_shape=[jax.ShapeDtypeStruct((_N, 1), jnp.int32)],
        compiler_params=pltpu.CompilerParams(
            dimension_semantics=("parallel",)),
    )(pitch_target.reshape(_N, 1), pbins)

    sc_lookup = functools.partial(
        pl.kernel,
        out_type=[jax.ShapeDtypeStruct((_N, OUT), f32)],
        mesh=plsc.VectorSubcoreMesh(core_axis_name="c", subcore_axis_name="s",
                                    num_cores=_NC, num_subcores=_NS),
        scratch_types=[
            pltpu.VMEM((_NCHUNK, _CH), jnp.int32),
            pltpu.VMEM((_CH, OUT), f32),
            pltpu.VMEM((_CH, OUT), f32),
            pltpu.SemaphoreType.DMA,
            pltpu.SemaphoreType.DMA,
            pltpu.SemaphoreType.DMA,
            pltpu.SemaphoreType.DMA,
        ],
    )(_lookup_body)

    pembo, = sc_lookup(pidx.reshape(_N // _CH, _CH), pitch_emb)

    w1 = jnp.concatenate([p_params["conv1_w"].reshape(K * H, FILT),
                          e_params["conv1_w"].reshape(K * H, FILT)],
                         axis=1).astype(bf16)
    b1 = jnp.concatenate([p_params["conv1_b"], e_params["conv1_b"]])

    def head_params(p):
        g1, bt1 = p["ln1_g"], p["ln1_b"]
        w2g = (p["conv2_w"] * g1[None, :, None]).reshape(K * FILT, FILT)
        b2p = p["conv2_b"] + jnp.einsum("c,kcf->f", bt1, p["conv2_w"])
        pad = jnp.where(g1 != 0.0, -bt1 / jnp.where(g1 != 0.0, g1, 1.0), 0.0)
        lw = p["lin_w"][:, 0]
        lwg = lw * p["ln2_g"]
        sc = jnp.stack([jnp.sum(lwg),
                        jnp.sum(p["ln2_b"] * lw) + p["lin_b"][0]])
        return (w2g.astype(bf16), _row2(b2p), _row2(pad), _row2(lwg),
                sc.reshape(1, 2))

    in_specs = (
        [per_b3((1, T, H)), per_b3((1, T, 1)), per_b3((1, T, 1)),
         whole((1, NBINS)), whole((1, NBINS)), whole((NBINS, OUT))]
        + [whole((K * H, 2 * FILT)), whole((1, 2 * FILT))]
        + [whole((K * FILT, FILT)), whole((1, FILT)), whole((1, FILT)),
           whole((1, FILT)), whole((1, 2))] * 2
    )
    out_specs = [per_b3((1, T, 1)), per_b3((1, T, 1)), per_b3((1, T, OUT))]
    out_shape = [jax.ShapeDtypeStruct((B, T, 1), f32),
                 jax.ShapeDtypeStruct((B, T, 1), f32),
                 jax.ShapeDtypeStruct((B, T, OUT), f32)]

    elo = jnp.concatenate([-inf, energy_bins]).reshape(1, NBINS)
    ppred, epred, eembo = pl.pallas_call(
        _pred_kernel,
        grid=(B,),
        in_specs=in_specs,
        out_specs=out_specs,
        out_shape=out_shape,
        compiler_params=pltpu.CompilerParams(
            dimension_semantics=("parallel",),
            vmem_limit_bytes=120 * 1024 * 1024),
    )(embeddings, mask_f, energy_target.reshape(B, T, 1), elo, ebins,
      energy_emb.astype(bf16), w1, _row2(b1),
      *head_params(p_params), *head_params(e_params))

    return (ppred.reshape(B, T), pembo.reshape(B, T, OUT),
            epred.reshape(B, T), eembo.reshape(B, T, OUT))

# --- scband reference (transcript-rebuilt; emitter-appended) ---
"""Pipeline reference for scband-variance-adaptor-79087527788967 (READ-ONLY COPY).

The authoritative reference and input builder live on the scoring server;
editing this copy changes nothing except your own understanding.
"""

import jax, jax.numpy as jnp
import numpy as np

B, T, H = 64, 2048, 256
NBINS, OUT, FILT, K = 256, 256, 256, 3


def _ln(x, g, b, eps=1e-5):
    mu = jnp.mean(x, axis=-1, keepdims=True)
    var = jnp.mean((x - mu) ** 2, axis=-1, keepdims=True)
    return g * (x - mu) / jnp.sqrt(var + eps) + b


def _predictor(x, mask, p):
    h = jax.lax.conv_general_dilated(x, p["conv1_w"], window_strides=(1,), padding="SAME", dimension_numbers=("NWC", "WIO", "NWC")) + p["conv1_b"]
    h = jax.nn.relu(h)
    h = _ln(h, p["ln1_g"], p["ln1_b"])
    h = jax.lax.conv_general_dilated(h, p["conv2_w"], window_strides=(1,), padding="SAME", dimension_numbers=("NWC", "WIO", "NWC")) + p["conv2_b"]
    h = jax.nn.relu(h)
    h = _ln(h, p["ln2_g"], p["ln2_b"])
    out = (h @ p["lin_w"])[..., 0] + p["lin_b"][0]
    return jnp.where(mask, 0.0, out)


def _predictor_params(key, in_dim):
    ks = jax.random.split(key, 3)
    return {
        "conv1_w": jax.random.normal(ks[0], (K, in_dim, FILT), jnp.float32) * 0.02,
        "conv1_b": jnp.zeros((FILT,), jnp.float32),
        "ln1_g": jnp.ones((FILT,), jnp.float32),
        "ln1_b": jnp.zeros((FILT,), jnp.float32),
        "conv2_w": jax.random.normal(ks[1], (K, FILT, FILT), jnp.float32) * 0.02,
        "conv2_b": jnp.zeros((FILT,), jnp.float32),
        "ln2_g": jnp.ones((FILT,), jnp.float32),
        "ln2_b": jnp.zeros((FILT,), jnp.float32),
        "lin_w": jax.random.normal(ks[2], (FILT, 1), jnp.float32) * 0.02,
        "lin_b": jnp.zeros((1,), jnp.float32),
    }


def setup_inputs(seed: int = 0):
    key = jax.random.key(seed)
    ks = jax.random.split(key, 8)
    return {
        "embeddings": jax.random.normal(ks[0], (B, T, H), jnp.float32),
        "src_mask": jnp.zeros((B, T), dtype=bool),
        "pitch_target": jax.random.normal(ks[1], (B, T), jnp.float32),
        "energy_target": jax.random.normal(ks[2], (B, T), jnp.float32),
        "pitch_bins": jnp.linspace(-4.0, 4.0, NBINS - 1, dtype=jnp.float32),
        "energy_bins": jnp.linspace(-4.0, 4.0, NBINS - 1, dtype=jnp.float32),
        "pitch_emb": jax.random.normal(ks[3], (NBINS, OUT), jnp.float32) * 0.02,
        "energy_emb": jax.random.normal(ks[4], (NBINS, OUT), jnp.float32) * 0.02,
        "p_params": _predictor_params(ks[5], H),
        "e_params": _predictor_params(ks[6], H),
    }


def reference(embeddings, src_mask, pitch_target, energy_target, pitch_bins, energy_bins, pitch_emb, energy_emb, p_params, e_params):
    prediction_pitch = _predictor(embeddings, src_mask, p_params)
    pidx = jnp.searchsorted(pitch_bins, pitch_target, side="left")
    embedding_pitch = jnp.take(pitch_emb, pidx, axis=0)
    prediction_energy = _predictor(embeddings, src_mask, e_params)
    eidx = jnp.searchsorted(energy_bins, energy_target, side="left")
    embedding_energy = jnp.take(energy_emb, eidx, axis=0)
    return (prediction_pitch, embedding_pitch, prediction_energy, embedding_energy)

if __name__ == "__main__":
    import jax
    _d = setup_inputs()
    print(jax.jit(kernel)(*tuple(_d.values())))

</pallas_src>

<mosaic_0001>
#map = affine_map<(d0, d1) -> (0, 0)>
module attributes {stable_mosaic.version = 14 : i64} {
  func.func @_lookup_body(%arg0: i32, %arg1: i32, %arg2: memref<1024x128xi32, #tpu.memory_space<hbm>>, %arg3: memref<256x256xf32, #tpu.memory_space<hbm>>, %arg4: memref<131072x256xf32, #tpu.memory_space<hbm>>, %arg5: memref<32x128xi32, #tpu.memory_space<vmem>>, %arg6: memref<128x256xf32, #tpu.memory_space<vmem>>, %arg7: memref<128x256xf32, #tpu.memory_space<vmem>>, %arg8: memref<!tpu.dma_semaphore, #tpu.memory_space<semaphore_mem>>, %arg9: memref<!tpu.dma_semaphore, #tpu.memory_space<semaphore_mem>>, %arg10: memref<!tpu.dma_semaphore, #tpu.memory_space<semaphore_mem>>, %arg11: memref<!tpu.dma_semaphore, #tpu.memory_space<semaphore_mem>>) attributes {dimension_semantics = [#tpu.dimension_semantics<core_parallel>, #tpu.dimension_semantics<subcore_parallel>], iteration_bounds = array<i64: 2, 16>, scalar_prefetch = 0 : i64, scratch_operands = 7 : i64, tpu.core_type = #tpu.core_type<sc_vector_subcore>, window_params = [{transform_indices = #map}, {transform_indices = #map}, {transform_indices = #map}]} {
    %mul3A = arith.constant 2 : i32
    %mul3A_0 = arith.muli %arg1, %mul3A : i32
    %add3A = arith.addi %mul3A_0, %arg0 : i32
    %mul3A_1 = arith.constant 4096 : i32
    %mul3A_2 = arith.muli %add3A, %mul3A_1 : i32
    %mul3A_3 = arith.constant 32 : i32
    %mul3A_4 = arith.muli %add3A, %mul3A_3 : i32
    "tpu.region"() ({
      %run_scoped3A = tpu.sem_alloc : memref<!tpu.dma_semaphore, #tpu.memory_space<semaphore_mem>>
      %dma_start3A_36 = arith.constant 0 : i32
      %dma_start3A_37 = tpu.memref_slice %arg2[%mul3A_4, %dma_start3A_36] : memref<1024x128xi32, #tpu.memory_space<hbm>> -> memref<32x128xi32, #tpu.memory_space<hbm>>
      %dma_start3A_38 = arith.constant 0 : i32
      %dma_start3A_39 = tpu.memref_slice %arg2[%mul3A_4, %dma_start3A_38] : memref<1024x128xi32, #tpu.memory_space<hbm>> -> memref<32x128xi32, #tpu.memory_space<hbm>>
      tpu.enqueue_dma source(%dma_start3A_39 : memref<32x128xi32, #tpu.memory_space<hbm>>) target(%arg5 : memref<32x128xi32, #tpu.memory_space<vmem>>) target_semaphore(%run_scoped3A : memref<!tpu.dma_semaphore, #tpu.memory_space<semaphore_mem>>)
      %dma_wait3A_40 = arith.constant 0 : i32
      %dma_wait3A_41 = tpu.memref_slice %arg2[%mul3A_4, %dma_wait3A_40] : memref<1024x128xi32, #tpu.memory_space<hbm>> -> memref<32x128xi32, #tpu.memory_space<hbm>>
      %dma_wait3A_42 = arith.constant 0 : i32
      %dma_wait3A_43 = tpu.memref_slice %arg2[%mul3A_4, %dma_wait3A_42] : memref<1024x128xi32, #tpu.memory_space<hbm>> -> memref<32x128xi32, #tpu.memory_space<hbm>>
      tpu.wait_dma2 semaphore(%run_scoped3A : memref<!tpu.dma_semaphore, #tpu.memory_space<semaphore_mem>>) src(%dma_wait3A_43 : memref<32x128xi32, #tpu.memory_space<hbm>>) dst(%arg5 : memref<32x128xi32, #tpu.memory_space<vmem>>)
      tpu.yield
    }) : () -> ()
    %dma_start3A = arith.constant 0 : i32
    %dma_start3A_5 = arith.constant 0 : i32
    %dma_start3A_6 = tpu.memref_slice %arg5[%dma_start3A, %dma_start3A_5] : memref<32x128xi32, #tpu.memory_space<vmem>> -> memref<1x128xi32, #tpu.memory_space<vmem>>
    %dma_start3A_7 = tpu.memref_squeeze %dma_start3A_6 : memref<1x128xi32, #tpu.memory_space<vmem>> -> memref<128xi32, #tpu.memory_space<vmem>>
    %dma_start3A_8 = arith.constant 0 : i32
    %dma_start3A_9 = arith.constant 0 : i32
    %dma_start3A_10 = tpu.memref_slice %arg3[%dma_start3A_8, %dma_start3A_9] : memref<256x256xf32, #tpu.memory_space<hbm>> -> memref<256x256xf32, #tpu.memory_space<hbm>>
    tpu.enqueue_indirect_dma source(%dma_start3A_10 : memref<256x256xf32, #tpu.memory_space<hbm>>) target(%arg6 : memref<128x256xf32, #tpu.memory_space<vmem>>) offsets(%dma_start3A_7 : memref<128xi32, #tpu.memory_space<vmem>>) semaphore(%arg8 : memref<!tpu.dma_semaphore, #tpu.memory_space<semaphore_mem>>)
    %dma_start3A_11 = arith.constant 1 : i32
    %dma_start3A_12 = arith.constant 0 : i32
    %dma_start3A_13 = tpu.memref_slice %arg5[%dma_start3A_11, %dma_start3A_12] : memref<32x128xi32, #tpu.memory_space<vmem>> -> memref<1x128xi32, #tpu.memory_space<vmem>>
    %dma_start3A_14 = tpu.memref_squeeze %dma_start3A_13 : memref<1x128xi32, #tpu.memory_space<vmem>> -> memref<128xi32, #tpu.memory_space<vmem>>
    %dma_start3A_15 = arith.constant 0 : i32
    %dma_start3A_16 = arith.constant 0 : i32
    %dma_start3A_17 = tpu.memref_slice %arg3[%dma_start3A_15, %dma_start3A_16] : memref<256x256xf32, #tpu.memory_space<hbm>> -> memref<256x256xf32, #tpu.memory_space<hbm>>
    tpu.enqueue_indirect_dma source(%dma_start3A_17 : memref<256x256xf32, #tpu.memory_space<hbm>>) target(%arg7 : memref<128x256xf32, #tpu.memory_space<vmem>>) offsets(%dma_start3A_14 : memref<128xi32, #tpu.memory_space<vmem>>) semaphore(%arg9 : memref<!tpu.dma_semaphore, #tpu.memory_space<semaphore_mem>>)
    %scan3A = arith.constant 0 : i32
    %scan3A_18 = arith.constant 0 : i32
    %scan3A_19 = arith.constant 16 : i32
    %scan3A_20 = arith.addi %scan3A_18, %scan3A_19 : i32
    %scan3A_21 = arith.constant 1 : i32
    scf.for %scan3A_36 = %scan3A_18 to %scan3A_20 step %scan3A_21  : i32 {
      %mul3A_37 = arith.constant 2 : i32
      %mul3A_38 = arith.muli %mul3A_37, %scan3A_36 : i32
      %add3A_39 = arith.constant 1 : i32
      %add3A_40 = arith.addi %mul3A_38, %add3A_39 : i32
      %dma_wait3A_41 = arith.constant 0 : i32
      %dma_wait3A_42 = arith.constant 0 : i32
      %dma_wait3A_43 = tpu.memref_slice %arg5[%dma_wait3A_41, %dma_wait3A_42] : memref<32x128xi32, #tpu.memory_space<vmem>> -> memref<1x128xi32, #tpu.memory_space<vmem>>
      %dma_wait3A_44 = tpu.memref_squeeze %dma_wait3A_43 : memref<1x128xi32, #tpu.memory_space<vmem>> -> memref<128xi32, #tpu.memory_space<vmem>>
      %dma_wait3A_45 = arith.constant 0 : i32
      %dma_wait3A_46 = arith.constant 0 : i32
      %dma_wait3A_47 = tpu.memref_slice %arg3[%dma_wait3A_45, %dma_wait3A_46] : memref<256x256xf32, #tpu.memory_space<hbm>> -> memref<256x256xf32, #tpu.memory_space<hbm>>
      tpu.wait_indirect_dma semaphore(%arg8 : memref<!tpu.dma_semaphore, #tpu.memory_space<semaphore_mem>>) src(%dma_wait3A_47 : memref<256x256xf32, #tpu.memory_space<hbm>>) dst(%arg6 : memref<128x256xf32, #tpu.memory_space<vmem>>)
      %mul3A_48 = arith.constant 128 : i32
      %mul3A_49 = arith.muli %mul3A_38, %mul3A_48 : i32
      %add3A_50 = arith.addi %mul3A_2, %mul3A_49 : i32
      %dma_start3A_51 = arith.constant 0 : i32
      %dma_start3A_52 = tpu.memref_slice %arg4[%add3A_50, %dma_start3A_51] : memref<131072x256xf32, #tpu.memory_space<hbm>> -> memref<128x256xf32, #tpu.memory_space<hbm>>
      %dma_start3A_53 = arith.constant 0 : i32
      %dma_start3A_54 = tpu.memref_slice %arg4[%add3A_50, %dma_start3A_53] : memref<131072x256xf32, #tpu.memory_space<hbm>> -> memref<128x256xf32, #tpu.memory_space<hbm>>
      tpu.enqueue_dma source(%arg6 : memref<128x256xf32, #tpu.memory_space<vmem>>) target(%dma_start3A_54 : memref<128x256xf32, #tpu.memory_space<hbm>>) target_semaphore(%arg10 : memref<!tpu.dma_semaphore, #tpu.memory_space<semaphore_mem>>)
      %dma_wait3A_55 = arith.constant 0 : i32
      %dma_wait3A_56 = arith.constant 0 : i32
      %dma_wait3A_57 = tpu.memref_slice %arg5[%dma_wait3A_55, %dma_wait3A_56] : memref<32x128xi32, #tpu.memory_space<vmem>> -> memref<1x128xi32, #tpu.memory_space<vmem>>
      %dma_wait3A_58 = tpu.memref_squeeze %dma_wait3A_57 : memref<1x128xi32, #tpu.memory_space<vmem>> -> memref<128xi32, #tpu.memory_space<vmem>>
      %dma_wait3A_59 = arith.constant 0 : i32
      %dma_wait3A_60 = arith.constant 0 : i32
      %dma_wait3A_61 = tpu.memref_slice %arg3[%dma_wait3A_59, %dma_wait3A_60] : memref<256x256xf32, #tpu.memory_space<hbm>> -> memref<256x256xf32, #tpu.memory_space<hbm>>
      tpu.wait_indirect_dma semaphore(%arg9 : memref<!tpu.dma_semaphore, #tpu.memory_space<semaphore_mem>>) src(%dma_wait3A_61 : memref<256x256xf32, #tpu.memory_space<hbm>>) dst(%arg7 : memref<128x256xf32, #tpu.memory_space<vmem>>)
      %mul3A_62 = arith.constant 128 : i32
      %mul3A_63 = arith.muli %add3A_40, %mul3A_62 : i32
      %add3A_64 = arith.addi %mul3A_2, %mul3A_63 : i32
      %dma_start3A_65 = arith.constant 0 : i32
      %dma_start3A_66 = tpu.memref_slice %arg4[%add3A_64, %dma_start3A_65] : memref<131072x256xf32, #tpu.memory_space<hbm>> -> memref<128x256xf32, #tpu.memory_space<hbm>>
      %dma_start3A_67 = arith.constant 0 : i32
      %dma_start3A_68 = tpu.memref_slice %arg4[%add3A_64, %dma_start3A_67] : memref<131072x256xf32, #tpu.memory_space<hbm>> -> memref<128x256xf32, #tpu.memory_space<hbm>>
      tpu.enqueue_dma source(%arg7 : memref<128x256xf32, #tpu.memory_space<vmem>>) target(%dma_start3A_68 : memref<128x256xf32, #tpu.memory_space<hbm>>) target_semaphore(%arg11 : memref<!tpu.dma_semaphore, #tpu.memory_space<semaphore_mem>>)
      %mul3A_69 = arith.constant 128 : i32
      %mul3A_70 = arith.muli %mul3A_38, %mul3A_69 : i32
      %add3A_71 = arith.addi %mul3A_2, %mul3A_70 : i32
      %dma_wait3A_72 = arith.constant 0 : i32
      %dma_wait3A_73 = tpu.memref_slice %arg4[%add3A_71, %dma_wait3A_72] : memref<131072x256xf32, #tpu.memory_space<hbm>> -> memref<128x256xf32, #tpu.memory_space<hbm>>
      %dma_wait3A_74 = arith.constant 0 : i32
      %dma_wait3A_75 = tpu.memref_slice %arg4[%add3A_71, %dma_wait3A_74] : memref<131072x256xf32, #tpu.memory_space<hbm>> -> memref<128x256xf32, #tpu.memory_space<hbm>>
      tpu.wait_dma2 semaphore(%arg10 : memref<!tpu.dma_semaphore, #tpu.memory_space<semaphore_mem>>) src(%arg6 : memref<128x256xf32, #tpu.memory_space<vmem>>) dst(%dma_wait3A_75 : memref<128x256xf32, #tpu.memory_space<hbm>>)
      %add3A_76 = arith.constant 2 : i32
      %add3A_77 = arith.addi %mul3A_38, %add3A_76 : i32
      %min3A = arith.constant 31 : i32
      %min3A_78 = arith.minsi %add3A_77, %min3A : i32
      %dma_start3A_79 = arith.constant 0 : i32
      %dma_start3A_80 = tpu.memref_slice %arg5[%min3A_78, %dma_start3A_79] : memref<32x128xi32, #tpu.memory_space<vmem>> -> memref<1x128xi32, #tpu.memory_space<vmem>>
      %dma_start3A_81 = tpu.memref_squeeze %dma_start3A_80 : memref<1x128xi32, #tpu.memory_space<vmem>> -> memref<128xi32, #tpu.memory_space<vmem>>
      %dma_start3A_82 = arith.constant 0 : i32
      %dma_start3A_83 = arith.constant 0 : i32
      %dma_start3A_84 = tpu.memref_slice %arg3[%dma_start3A_82, %dma_start3A_83] : memref<256x256xf32, #tpu.memory_space<hbm>> -> memref<256x256xf32, #tpu.memory_space<hbm>>
      tpu.enqueue_indirect_dma source(%dma_start3A_84 : memref<256x256xf32, #tpu.memory_space<hbm>>) target(%arg6 : memref<128x256xf32, #tpu.memory_space<vmem>>) offsets(%dma_start3A_81 : memref<128xi32, #tpu.memory_space<vmem>>) semaphore(%arg8 : memref<!tpu.dma_semaphore, #tpu.memory_space<semaphore_mem>>)
      %mul3A_85 = arith.constant 128 : i32
      %mul3A_86 = arith.muli %add3A_40, %mul3A_85 : i32
      %add3A_87 = arith.addi %mul3A_2, %mul3A_86 : i32
      %dma_wait3A_88 = arith.constant 0 : i32
      %dma_wait3A_89 = tpu.memref_slice %arg4[%add3A_87, %dma_wait3A_88] : memref<131072x256xf32, #tpu.memory_space<hbm>> -> memref<128x256xf32, #tpu.memory_space<hbm>>
      %dma_wait3A_90 = arith.constant 0 : i32
      %dma_wait3A_91 = tpu.memref_slice %arg4[%add3A_87, %dma_wait3A_90] : memref<131072x256xf32, #tpu.memory_space<hbm>> -> memref<128x256xf32, #tpu.memory_space<hbm>>
      tpu.wait_dma2 semaphore(%arg11 : memref<!tpu.dma_semaphore, #tpu.memory_space<semaphore_mem>>) src(%arg7 : memref<128x256xf32, #tpu.memory_space<vmem>>) dst(%dma_wait3A_91 : memref<128x256xf32, #tpu.memory_space<hbm>>)
      %add3A_92 = arith.constant 2 : i32
      %add3A_93 = arith.addi %add3A_40, %add3A_92 : i32
      %min3A_94 = arith.constant 31 : i32
      %min3A_95 = arith.minsi %add3A_93, %min3A_94 : i32
      %dma_start3A_96 = arith.constant 0 : i32
      %dma_start3A_97 = tpu.memref_slice %arg5[%min3A_95, %dma_start3A_96] : memref<32x128xi32, #tpu.memory_space<vmem>> -> memref<1x128xi32, #tpu.memory_space<vmem>>
      %dma_start3A_98 = tpu.memref_squeeze %dma_start3A_97 : memref<1x128xi32, #tpu.memory_space<vmem>> -> memref<128xi32, #tpu.memory_space<vmem>>
      %dma_start3A_99 = arith.constant 0 : i32
      %dma_start3A_100 = arith.constant 0 : i32
      %dma_start3A_101 = tpu.memref_slice %arg3[%dma_start3A_99, %dma_start3A_100] : memref<256x256xf32, #tpu.memory_space<hbm>> -> memref<256x256xf32, #tpu.memory_space<hbm>>
      tpu.enqueue_indirect_dma source(%dma_start3A_101 : memref<256x256xf32, #tpu.memory_space<hbm>>) target(%arg7 : memref<128x256xf32, #tpu.memory_space<vmem>>) offsets(%dma_start3A_98 : memref<128xi32, #tpu.memory_space<vmem>>) semaphore(%arg9 : memref<!tpu.dma_semaphore, #tpu.memory_space<semaphore_mem>>)
    }
    %scan3A_22 = arith.constant 16 : i32
    %dma_wait3A = arith.constant 0 : i32
    %dma_wait3A_23 = arith.constant 0 : i32
    %dma_wait3A_24 = tpu.memref_slice %arg5[%dma_wait3A, %dma_wait3A_23] : memref<32x128xi32, #tpu.memory_space<vmem>> -> memref<1x128xi32, #tpu.memory_space<vmem>>
    %dma_wait3A_25 = tpu.memref_squeeze %dma_wait3A_24 : memref<1x128xi32, #tpu.memory_space<vmem>> -> memref<128xi32, #tpu.memory_space<vmem>>
    %dma_wait3A_26 = arith.constant 0 : i32
    %dma_wait3A_27 = arith.constant 0 : i32
    %dma_wait3A_28 = tpu.memref_slice %arg3[%dma_wait3A_26, %dma_wait3A_27] : memref<256x256xf32, #tpu.memory_space<hbm>> -> memref<256x256xf32, #tpu.memory_space<hbm>>
    tpu.wait_indirect_dma semaphore(%arg8 : memref<!tpu.dma_semaphore, #tpu.memory_space<semaphore_mem>>) src(%dma_wait3A_28 : memref<256x256xf32, #tpu.memory_space<hbm>>) dst(%arg6 : memref<128x256xf32, #tpu.memory_space<vmem>>)
    %dma_wait3A_29 = arith.constant 0 : i32
    %dma_wait3A_30 = arith.constant 0 : i32
    %dma_wait3A_31 = tpu.memref_slice %arg5[%dma_wait3A_29, %dma_wait3A_30] : memref<32x128xi32, #tpu.memory_space<vmem>> -> memref<1x128xi32, #tpu.memory_space<vmem>>
    %dma_wait3A_32 = tpu.memref_squeeze %dma_wait3A_31 : memref<1x128xi32, #tpu.memory_space<vmem>> -> memref<128xi32, #tpu.memory_space<vmem>>
    %dma_wait3A_33 = arith.constant 0 : i32
    %dma_wait3A_34 = arith.constant 0 : i32
    %dma_wait3A_35 = tpu.memref_slice %arg3[%dma_wait3A_33, %dma_wait3A_34] : memref<256x256xf32, #tpu.memory_space<hbm>> -> memref<256x256xf32, #tpu.memory_space<hbm>>
    tpu.wait_indirect_dma semaphore(%arg9 : memref<!tpu.dma_semaphore, #tpu.memory_space<semaphore_mem>>) src(%dma_wait3A_35 : memref<256x256xf32, #tpu.memory_space<hbm>>) dst(%arg7 : memref<128x256xf32, #tpu.memory_space<vmem>>)
    return
  }
}

module attributes {stable_mosaic.version = 14 : i64} {
  func.func @_bucketize_kernel(%arg0: i32, %arg1: memref<4096x1xf32, #tpu.memory_space<vmem>>, %arg2: memref<1x256xf32, #tpu.memory_space<vmem>>, %arg3: memref<4096x1xi32, #tpu.memory_space<vmem>>) attributes {dimension_semantics = [#tpu.dimension_semantics<parallel>], iteration_bounds = array<i64: 32>, scalar_prefetch = 0 : i64, scratch_operands = 0 : i64, tpu.core_type = #tpu.core_type<tc>, window_params = [{transform_indices = @transform_0, window_bounds = array<i64: 4096, 1>}, {pipeline_mode = #tpu.pipeline_mode<synchronous>, transform_indices = @transform_1, window_bounds = array<i64: 1, 256>}, {transform_indices = @transform_2, window_bounds = array<i64: 4096, 1>}]} {
    %get3A = arith.constant 0 : index
    %get3A_0 = arith.constant 0 : index
    %get3A_1 = vector.load %arg1[%get3A, %get3A_0] : memref<4096x1xf32, #tpu.memory_space<vmem>>, vector<4096x1xf32>
    %get3A_2 = arith.constant 0 : index
    %get3A_3 = arith.constant 0 : index
    %get3A_4 = vector.load %arg2[%get3A_2, %get3A_3] : memref<1x256xf32, #tpu.memory_space<vmem>>, vector<1x256xf32>
    %gt3A = vector.broadcast %get3A_1 : vector<4096x1xf32> to vector<4096x256xf32>
    %gt3A_5 = vector.broadcast %get3A_4 : vector<1x256xf32> to vector<4096x256xf32>
    %gt3A_6 = arith.cmpf ogt, %gt3A, %gt3A_5 : vector<4096x256xf32>
    %convert_element_type3A = arith.extui %gt3A_6 : vector<4096x256xi1> to vector<4096x256xi32>
    %convert_element_type3A_7 = arith.sitofp %convert_element_type3A : vector<4096x256xi32> to vector<4096x256xf32>
    %reduce_sum3A = arith.constant dense<0.000000e+00> : vector<4096xf32>
    %reduce_sum3A_8 = vector.multi_reduction <add>, %convert_element_type3A_7, %reduce_sum3A [1] : vector<4096x256xf32> to vector<4096xf32>
    %broadcast_in_dim3A = vector.shape_cast %reduce_sum3A_8 : vector<4096xf32> to vector<4096x1xf32>
    %convert_element_type3A_9 = arith.fptosi %broadcast_in_dim3A : vector<4096x1xf32> to vector<4096x1xi32>
    %swap3A = arith.constant 0 : index
    %swap3A_10 = arith.constant 0 : index
    %swap3A_11 = vector.load %arg3[%swap3A, %swap3A_10] : memref<4096x1xi32, #tpu.memory_space<vmem>>, vector<4096x1xi32>
    tpu.vector_store %arg3[%swap3A, %swap3A_10], %convert_element_type3A_9 {strides = array<i32>} : memref<4096x1xi32, #tpu.memory_space<vmem>>, vector<4096x1xi32>,
    return
  }
  func.func @transform_0(%arg0: i32) -> (i32, i32) {
    %c0_i32 = arith.constant 0 : i32
    %c0_i32_0 = arith.constant 0 : i32
    return %arg0, %c0_i32 : i32, i32
  }
  func.func @transform_1(%arg0: i32) -> (i32, i32) {
    %c0_i32 = arith.constant 0 : i32
    %c0_i32_0 = arith.constant 0 : i32
    %c0_i32_1 = arith.constant 0 : i32
    return %c0_i32, %c0_i32_0 : i32, i32
  }
  func.func @transform_2(%arg0: i32) -> (i32, i32) {
    %c0_i32 = arith.constant 0 : i32
    %c0_i32_0 = arith.constant 0 : i32
    return %arg0, %c0_i32 : i32, i32
  }
}

module attributes {stable_mosaic.version = 14 : i64} {
  func.func @_pred_kernel(%arg0: i32, %arg1: memref<1x2048x256xf32, #tpu.memory_space<vmem>>, %arg2: memref<1x2048x1xf32, #tpu.memory_space<vmem>>, %arg3: memref<1x2048x1xf32, #tpu.memory_space<vmem>>, %arg4: memref<1x256xf32, #tpu.memory_space<vmem>>, %arg5: memref<1x256xf32, #tpu.memory_space<vmem>>, %arg6: memref<256x256xbf16, #tpu.memory_space<vmem>>, %arg7: memref<768x512xbf16, #tpu.memory_space<vmem>>, %arg8: memref<1x512xf32, #tpu.memory_space<vmem>>, %arg9: memref<768x256xbf16, #tpu.memory_space<vmem>>, %arg10: memref<1x256xf32, #tpu.memory_space<vmem>>, %arg11: memref<1x256xf32, #tpu.memory_space<vmem>>, %arg12: memref<1x256xf32, #tpu.memory_space<vmem>>, %arg13: memref<1x2xf32, #tpu.memory_space<vmem>>, %arg14: memref<768x256xbf16, #tpu.memory_space<vmem>>, %arg15: memref<1x256xf32, #tpu.memory_space<vmem>>, %arg16: memref<1x256xf32, #tpu.memory_space<vmem>>, %arg17: memref<1x256xf32, #tpu.memory_space<vmem>>, %arg18: memref<1x2xf32, #tpu.memory_space<vmem>>, %arg19: memref<1x2048x1xf32, #tpu.memory_space<vmem>>, %arg20: memref<1x2048x1xf32, #tpu.memory_space<vmem>>, %arg21: memref<1x2048x256xf32, #tpu.memory_space<vmem>>) attributes {dimension_semantics = [#tpu.dimension_semantics<parallel>], iteration_bounds = array<i64: 64>, scalar_prefetch = 0 : i64, scratch_operands = 0 : i64, tpu.core_type = #tpu.core_type<tc>, window_params = [{transform_indices = @transform_0, window_bounds = array<i64: 1, 2048, 256>}, {transform_indices = @transform_1, window_bounds = array<i64: 1, 2048, 1>}, {transform_indices = @transform_2, window_bounds = array<i64: 1, 2048, 1>}, {pipeline_mode = #tpu.pipeline_mode<synchronous>, transform_indices = @transform_3, window_bounds = array<i64: 1, 256>}, {pipeline_mode = #tpu.pipeline_mode<synchronous>, transform_indices = @transform_4, window_bounds = array<i64: 1, 256>}, {pipeline_mode = #tpu.pipeline_mode<synchronous>, transform_indices = @transform_5, window_bounds = array<i64: 256, 256>}, {pipeline_mode = #tpu.pipeline_mode<synchronous>, transform_indices = @transform_6, window_bounds = array<i64: 768, 512>}, {pipeline_mode = #tpu.pipeline_mode<synchronous>, transform_indices = @transform_7, window_bounds = array<i64: 1, 512>}, {pipeline_mode = #tpu.pipeline_mode<synchronous>, transform_indices = @transform_8, window_bounds = array<i64: 768, 256>}, {pipeline_mode = #tpu.pipeline_mode<synchronous>, transform_indices = @transform_9, window_bounds = array<i64: 1, 256>}, {pipeline_mode = #tpu.pipeline_mode<synchronous>, transform_indices = @transform_10, window_bounds = array<i64: 1, 256>}, {pipeline_mode = #tpu.pipeline_mode<synchronous>, transform_indices = @transform_11, window_bounds = array<i64: 1, 256>}, {pipeline_mode = #tpu.pipeline_mode<synchronous>, transform_indices = @transform_12, window_bounds = array<i64: 1, 2>}, {pipeline_mode = #tpu.pipeline_mode<synchronous>, transform_indices = @transform_13, window_bounds = array<i64: 768, 256>}, {pipeline_mode = #tpu.pipeline_mode<synchronous>, transform_indices = @transform_14, window_bounds = array<i64: 1, 256>}, {pipeline_mode = #tpu.pipeline_mode<synchronous>, transform_indices = @transform_15, window_bounds = array<i64: 1, 256>}, {pipeline_mode = #tpu.pipeline_mode<synchronous>, transform_indices = @transform_16, window_bounds = array<i64: 1, 256>}, {pipeline_mode = #tpu.pipeline_mode<synchronous>, transform_indices = @transform_17, window_bounds = array<i64: 1, 2>}, {transform_indices = @transform_18, window_bounds = array<i64: 1, 2048, 1>}, {transform_indices = @transform_19, window_bounds = array<i64: 1, 2048, 1>}, {transform_indices = @transform_20, window_bounds = array<i64: 1, 2048, 256>}]} {
    %get3A = arith.constant 0 : index
    %get3A_0 = arith.constant 0 : index
    %get3A_1 = arith.constant 0 : index
    %get3A_2 = vector.load %arg1[%get3A, %get3A_0, %get3A_1] : memref<1x2048x256xf32, #tpu.memory_space<vmem>>, vector<1x2048x256xf32>
    %get3A_3 = vector.shape_cast %get3A_2 : vector<1x2048x256xf32> to vector<2048x256xf32>
    %convert_element_type3A = arith.truncf %get3A_3 : vector<2048x256xf32> to vector<2048x256xbf16>
    %get3A_4 = arith.constant 0 : index
    %get3A_5 = arith.constant 0 : index
    %get3A_6 = arith.constant 0 : index
    %get3A_7 = vector.load %arg2[%get3A_4, %get3A_5, %get3A_6] : memref<1x2048x1xf32, #tpu.memory_space<vmem>>, vector<1x2048x1xf32>
    %get3A_8 = vector.shape_cast %get3A_7 : vector<1x2048x1xf32> to vector<2048x1xf32>
    %broadcast_in_dim3A = arith.constant 0.000000e+00 : bf16
    %broadcast_in_dim3A_9 = vector.broadcast %broadcast_in_dim3A : bf16 to vector<1x256xbf16>
    %slice3A = vector.extract_strided_slice %convert_element_type3A {offsets = [0, 0], sizes = [2047, 256], strides = [1, 1]} : vector<2048x256xbf16> to vector<2047x256xbf16>
    %concatenate3A = tpu.concatenate %broadcast_in_dim3A_9, %slice3A in 0 : vector<1x256xbf16>, vector<2047x256xbf16> -> vector<2048x256xbf16>
    %slice3A_10 = vector.extract_strided_slice %convert_element_type3A {offsets = [1, 0], sizes = [2047, 256], strides = [1, 1]} : vector<2048x256xbf16> to vector<2047x256xbf16>
    %concatenate3A_11 = tpu.concatenate %slice3A_10, %broadcast_in_dim3A_9 in 0 : vector<2047x256xbf16>, vector<1x256xbf16> -> vector<2048x256xbf16>
    %concatenate3A_12 = tpu.concatenate %concatenate3A, %convert_element_type3A, %concatenate3A_11 in 1 : vector<2048x256xbf16>, vector<2048x256xbf16>, vector<2048x256xbf16> -> vector<2048x768xbf16>
    %get3A_13 = arith.constant 0 : index
    %get3A_14 = arith.constant 0 : index
    %get3A_15 = vector.load %arg7[%get3A_13, %get3A_14] : memref<768x512xbf16, #tpu.memory_space<vmem>>, vector<768x512xbf16>
    %dot_general3A = arith.constant dense<0.000000e+00> : vector<2048x512xf32>
    %dot_general3A_16 = tpu.matmul %concatenate3A_12, %get3A_15, %dot_general3A {dimension_numbers = #tpu.dot_dimension_numbers<[1], [0], [0], [1], [0, 0, 1, 1], [], []>, transpose_lhs_hint = false} : vector<2048x768xbf16>, vector<768x512xbf16>, vector<2048x512xf32> -> vector<2048x512xf32>
    %get3A_17 = arith.constant 0 : index
    %get3A_18 = arith.constant 0 : index
    %get3A_19 = vector.load %arg8[%get3A_17, %get3A_18] : memref<1x512xf32, #tpu.memory_space<vmem>>, vector<1x512xf32>
    %add3A = vector.broadcast %get3A_19 : vector<1x512xf32> to vector<2048x512xf32>
    %add3A_20 = arith.addf %dot_general3A_16, %add3A : vector<2048x512xf32>
    %max3A = arith.constant 0.000000e+00 : f32
    %max3A_21 = vector.broadcast %max3A : f32 to vector<2048x512xf32>
    %max3A_22 = arith.maximumf %add3A_20, %max3A_21 : vector<2048x512xf32>
    %slice3A_23 = vector.extract_strided_slice %max3A_22 {offsets = [0, 0], sizes = [2048, 256], strides = [1, 1]} : vector<2048x512xf32> to vector<2048x256xf32>
    %reduce_sum3A = arith.constant dense<0.000000e+00> : vector<2048xf32>
    %reduce_sum3A_24 = vector.multi_reduction <add>, %slice3A_23, %reduce_sum3A [1] : vector<2048x256xf32> to vector<2048xf32>
    %broadcast_in_dim3A_25 = vector.shape_cast %reduce_sum3A_24 : vector<2048xf32> to vector<2048x1xf32>
    %div3A = arith.constant 2.560000e+02 : f32
    %div3A_26 = vector.broadcast %div3A : f32 to vector<2048x1xf32>
    %div3A_27 = arith.divf %broadcast_in_dim3A_25, %div3A_26 : vector<2048x1xf32>
    %mul3A = arith.mulf %slice3A_23, %slice3A_23 : vector<2048x256xf32>
    %reduce_sum3A_28 = arith.constant dense<0.000000e+00> : vector<2048xf32>
    %reduce_sum3A_29 = vector.multi_reduction <add>, %mul3A, %reduce_sum3A_28 [1] : vector<2048x256xf32> to vector<2048xf32>
    %broadcast_in_dim3A_30 = vector.shape_cast %reduce_sum3A_29 : vector<2048xf32> to vector<2048x1xf32>
    %div3A_31 = arith.constant 2.560000e+02 : f32
    %div3A_32 = vector.broadcast %div3A_31 : f32 to vector<2048x1xf32>
    %div3A_33 = arith.divf %broadcast_in_dim3A_30, %div3A_32 : vector<2048x1xf32>
    %mul3A_34 = arith.mulf %div3A_27, %div3A_27 : vector<2048x1xf32>
    %sub3A = arith.subf %div3A_33, %mul3A_34 : vector<2048x1xf32>
    %add3A_35 = arith.constant 9.99999974E-6 : f32
    %add3A_36 = vector.broadcast %add3A_35 : f32 to vector<2048x1xf32>
    %add3A_37 = arith.addf %sub3A, %add3A_36 : vector<2048x1xf32>
    %rsqrt3A = math.rsqrt %add3A_37 : vector<2048x1xf32>
    %mul3A_38 = vector.broadcast %rsqrt3A : vector<2048x1xf32> to vector<2048x256xf32>
    %mul3A_39 = arith.mulf %slice3A_23, %mul3A_38 : vector<2048x256xf32>
    %mul3A_40 = arith.mulf %div3A_27, %rsqrt3A : vector<2048x1xf32>
    %sub3A_41 = vector.broadcast %mul3A_40 : vector<2048x1xf32> to vector<2048x256xf32>
    %sub3A_42 = arith.subf %mul3A_39, %sub3A_41 : vector<2048x256xf32>
    %convert_element_type3A_43 = arith.truncf %sub3A_42 : vector<2048x256xf32> to vector<2048x256xbf16>
    %get3A_44 = arith.constant 0 : index
    %get3A_45 = arith.constant 0 : index
    %get3A_46 = vector.load %arg11[%get3A_44, %get3A_45] : memref<1x256xf32, #tpu.memory_space<vmem>>, vector<1x256xf32>
    %convert_element_type3A_47 = arith.truncf %get3A_46 : vector<1x256xf32> to vector<1x256xbf16>
    %slice3A_48 = vector.extract_strided_slice %convert_element_type3A_43 {offsets = [0, 0], sizes = [2047, 256], strides = [1, 1]} : vector<2048x256xbf16> to vector<2047x256xbf16>
    %concatenate3A_49 = tpu.concatenate %convert_element_type3A_47, %slice3A_48 in 0 : vector<1x256xbf16>, vector<2047x256xbf16> -> vector<2048x256xbf16>
    %slice3A_50 = vector.extract_strided_slice %convert_element_type3A_43 {offsets = [1, 0], sizes = [2047, 256], strides = [1, 1]} : vector<2048x256xbf16> to vector<2047x256xbf16>
    %concatenate3A_51 = tpu.concatenate %slice3A_50, %convert_element_type3A_47 in 0 : vector<2047x256xbf16>, vector<1x256xbf16> -> vector<2048x256xbf16>
    %concatenate3A_52 = tpu.concatenate %concatenate3A_49, %convert_element_type3A_43, %concatenate3A_51 in 1 : vector<2048x256xbf16>, vector<2048x256xbf16>, vector<2048x256xbf16> -> vector<2048x768xbf16>
    %get3A_53 = arith.constant 0 : index
    %get3A_54 = arith.constant 0 : index
    %get3A_55 = vector.load %arg9[%get3A_53, %get3A_54] : memref<768x256xbf16, #tpu.memory_space<vmem>>, vector<768x256xbf16>
    %dot_general3A_56 = arith.constant dense<0.000000e+00> : vector<2048x256xf32>
    %dot_general3A_57 = tpu.matmul %concatenate3A_52, %get3A_55, %dot_general3A_56 {dimension_numbers = #tpu.dot_dimension_numbers<[1], [0], [0], [1], [0, 0, 1, 1], [], []>, transpose_lhs_hint = false} : vector<2048x768xbf16>, vector<768x256xbf16>, vector<2048x256xf32> -> vector<2048x256xf32>
    %get3A_58 = arith.constant 0 : index
    %get3A_59 = arith.constant 0 : index
    %get3A_60 = vector.load %arg10[%get3A_58, %get3A_59] : memref<1x256xf32, #tpu.memory_space<vmem>>, vector<1x256xf32>
    %add3A_61 = vector.broadcast %get3A_60 : vector<1x256xf32> to vector<2048x256xf32>
    %add3A_62 = arith.addf %dot_general3A_57, %add3A_61 : vector<2048x256xf32>
    %max3A_63 = arith.constant 0.000000e+00 : f32
    %max3A_64 = vector.broadcast %max3A_63 : f32 to vector<2048x256xf32>
    %max3A_65 = arith.maximumf %add3A_62, %max3A_64 : vector<2048x256xf32>
    %reduce_sum3A_66 = arith.constant dense<0.000000e+00> : vector<2048xf32>
    %reduce_sum3A_67 = vector.multi_reduction <add>, %max3A_65, %reduce_sum3A_66 [1] : vector<2048x256xf32> to vector<2048xf32>
    %broadcast_in_dim3A_68 = vector.shape_cast %reduce_sum3A_67 : vector<2048xf32> to vector<2048x1xf32>
    %div3A_69 = arith.constant 2.560000e+02 : f32
    %div3A_70 = vector.broadcast %div3A_69 : f32 to vector<2048x1xf32>
    %div3A_71 = arith.divf %broadcast_in_dim3A_68, %div3A_70 : vector<2048x1xf32>
    %mul3A_72 = arith.mulf %max3A_65, %max3A_65 : vector<2048x256xf32>
    %reduce_sum3A_73 = arith.constant dense<0.000000e+00> : vector<2048xf32>
    %reduce_sum3A_74 = vector.multi_reduction <add>, %mul3A_72, %reduce_sum3A_73 [1] : vector<2048x256xf32> to vector<2048xf32>
    %broadcast_in_dim3A_75 = vector.shape_cast %reduce_sum3A_74 : vector<2048xf32> to vector<2048x1xf32>
    %div3A_76 = arith.constant 2.560000e+02 : f32
    %div3A_77 = vector.broadcast %div3A_76 : f32 to vector<2048x1xf32>
    %div3A_78 = arith.divf %broadcast_in_dim3A_75, %div3A_77 : vector<2048x1xf32>
    %mul3A_79 = arith.mulf %div3A_71, %div3A_71 : vector<2048x1xf32>
    %sub3A_80 = arith.subf %div3A_78, %mul3A_79 : vector<2048x1xf32>
    %add3A_81 = arith.constant 9.99999974E-6 : f32
    %add3A_82 = vector.broadcast %add3A_81 : f32 to vector<2048x1xf32>
    %add3A_83 = arith.addf %sub3A_80, %add3A_82 : vector<2048x1xf32>
    %rsqrt3A_84 = math.rsqrt %add3A_83 : vector<2048x1xf32>
    %get3A_85 = arith.constant 0 : index
    %get3A_86 = arith.constant 0 : index
    %get3A_87 = vector.load %arg12[%get3A_85, %get3A_86] : memref<1x256xf32, #tpu.memory_space<vmem>>, vector<1x256xf32>
    %mul3A_88 = vector.broadcast %get3A_87 : vector<1x256xf32> to vector<2048x256xf32>
    %mul3A_89 = arith.mulf %max3A_65, %mul3A_88 : vector<2048x256xf32>
    %reduce_sum3A_90 = arith.constant dense<0.000000e+00> : vector<2048xf32>
    %reduce_sum3A_91 = vector.multi_reduction <add>, %mul3A_89, %reduce_sum3A_90 [1] : vector<2048x256xf32> to vector<2048xf32>
    %broadcast_in_dim3A_92 = vector.shape_cast %reduce_sum3A_91 : vector<2048xf32> to vector<2048x1xf32>
    %get3A_93 = arith.constant 0 : index
    %get3A_94 = arith.constant 0 : index
    %get3A_95 = vector.load %arg13[%get3A_93, %get3A_94] : memref<1x2xf32, #tpu.memory_space<vmem>>, vector<1x1xf32>
    %get3A_96 = vector.extract %get3A_95[0, 0] : f32 from vector<1x1xf32>
    %mul3A_97 = vector.broadcast %get3A_96 : f32 to vector<2048x1xf32>
    %mul3A_98 = arith.mulf %div3A_71, %mul3A_97 : vector<2048x1xf32>
    %sub3A_99 = arith.subf %broadcast_in_dim3A_92, %mul3A_98 : vector<2048x1xf32>
    %mul3A_100 = arith.mulf %rsqrt3A_84, %sub3A_99 : vector<2048x1xf32>
    %get3A_101 = arith.constant 0 : index
    %get3A_102 = arith.constant 1 : index
    %get3A_103 = vector.load %arg13[%get3A_101, %get3A_102] : memref<1x2xf32, #tpu.memory_space<vmem>>, vector<1x1xf32>
    %get3A_104 = vector.extract %get3A_103[0, 0] : f32 from vector<1x1xf32>
    %add3A_105 = vector.broadcast %get3A_104 : f32 to vector<2048x1xf32>
    %add3A_106 = arith.addf %mul3A_100, %add3A_105 : vector<2048x1xf32>
    %gt3A = arith.constant 0.000000e+00 : f32
    %gt3A_107 = vector.broadcast %gt3A : f32 to vector<2048x1xf32>
    %gt3A_108 = arith.cmpf ogt, %get3A_8, %gt3A_107 : vector<2048x1xf32>
    %jit3A = arith.constant 0.000000e+00 : f32
    %broadcast_in_dim3A_109 = vector.broadcast %jit3A : f32 to vector<2048x1xf32>
    %select_n3A = arith.select %gt3A_108, %broadcast_in_dim3A_109, %add3A_106 : vector<2048x1xi1>, vector<2048x1xf32>
    %swap3A = arith.constant 0 : index
    %swap3A_110 = arith.constant 0 : index
    %swap3A_111 = arith.constant 0 : index
    %swap3A_112 = vector.load %arg19[%swap3A, %swap3A_110, %swap3A_111] : memref<1x2048x1xf32, #tpu.memory_space<vmem>>, vector<1x2048x1xf32>
    %swap3A_113 = vector.shape_cast %swap3A_112 : vector<1x2048x1xf32> to vector<2048x1xf32>
    %swap3A_114 = vector.shape_cast %select_n3A : vector<2048x1xf32> to vector<1x2048x1xf32>
    tpu.vector_store %arg19[%swap3A, %swap3A_110, %swap3A_111], %swap3A_114 {strides = array<i32>} : memref<1x2048x1xf32, #tpu.memory_space<vmem>>, vector<1x2048x1xf32>,
    %slice3A_115 = vector.extract_strided_slice %max3A_22 {offsets = [0, 256], sizes = [2048, 256], strides = [1, 1]} : vector<2048x512xf32> to vector<2048x256xf32>
    %reduce_sum3A_116 = arith.constant dense<0.000000e+00> : vector<2048xf32>
    %reduce_sum3A_117 = vector.multi_reduction <add>, %slice3A_115, %reduce_sum3A_116 [1] : vector<2048x256xf32> to vector<2048xf32>
    %broadcast_in_dim3A_118 = vector.shape_cast %reduce_sum3A_117 : vector<2048xf32> to vector<2048x1xf32>
    %div3A_119 = arith.constant 2.560000e+02 : f32
    %div3A_120 = vector.broadcast %div3A_119 : f32 to vector<2048x1xf32>
    %div3A_121 = arith.divf %broadcast_in_dim3A_118, %div3A_120 : vector<2048x1xf32>
    %mul3A_122 = arith.mulf %slice3A_115, %slice3A_115 : vector<2048x256xf32>
    %reduce_sum3A_123 = arith.constant dense<0.000000e+00> : vector<2048xf32>
    %reduce_sum3A_124 = vector.multi_reduction <add>, %mul3A_122, %reduce_sum3A_123 [1] : vector<2048x256xf32> to vector<2048xf32>
    %broadcast_in_dim3A_125 = vector.shape_cast %reduce_sum3A_124 : vector<2048xf32> to vector<2048x1xf32>
    %div3A_126 = arith.constant 2.560000e+02 : f32
    %div3A_127 = vector.broadcast %div3A_126 : f32 to vector<2048x1xf32>
    %div3A_128 = arith.divf %broadcast_in_dim3A_125, %div3A_127 : vector<2048x1xf32>
    %mul3A_129 = arith.mulf %div3A_121, %div3A_121 : vector<2048x1xf32>
    %sub3A_130 = arith.subf %div3A_128, %mul3A_129 : vector<2048x1xf32>
    %add3A_131 = arith.constant 9.99999974E-6 : f32
    %add3A_132 = vector.broadcast %add3A_131 : f32 to vector<2048x1xf32>
    %add3A_133 = arith.addf %sub3A_130, %add3A_132 : vector<2048x1xf32>
    %rsqrt3A_134 = math.rsqrt %add3A_133 : vector<2048x1xf32>
    %mul3A_135 = vector.broadcast %rsqrt3A_134 : vector<2048x1xf32> to vector<2048x256xf32>
    %mul3A_136 = arith.mulf %slice3A_115, %mul3A_135 : vector<2048x256xf32>
    %mul3A_137 = arith.mulf %div3A_121, %rsqrt3A_134 : vector<2048x1xf32>
    %sub3A_138 = vector.broadcast %mul3A_137 : vector<2048x1xf32> to vector<2048x256xf32>
    %sub3A_139 = arith.subf %mul3A_136, %sub3A_138 : vector<2048x256xf32>
    %convert_element_type3A_140 = arith.truncf %sub3A_139 : vector<2048x256xf32> to vector<2048x256xbf16>
    %get3A_141 = arith.constant 0 : index
    %get3A_142 = arith.constant 0 : index
    %get3A_143 = vector.load %arg16[%get3A_141, %get3A_142] : memref<1x256xf32, #tpu.memory_space<vmem>>, vector<1x256xf32>
    %convert_element_type3A_144 = arith.truncf %get3A_143 : vector<1x256xf32> to vector<1x256xbf16>
    %slice3A_145 = vector.extract_strided_slice %convert_element_type3A_140 {offsets = [0, 0], sizes = [2047, 256], strides = [1, 1]} : vector<2048x256xbf16> to vector<2047x256xbf16>
    %concatenate3A_146 = tpu.concatenate %convert_element_type3A_144, %slice3A_145 in 0 : vector<1x256xbf16>, vector<2047x256xbf16> -> vector<2048x256xbf16>
    %slice3A_147 = vector.extract_strided_slice %convert_element_type3A_140 {offsets = [1, 0], sizes = [2047, 256], strides = [1, 1]} : vector<2048x256xbf16> to vector<2047x256xbf16>
    %concatenate3A_148 = tpu.concatenate %slice3A_147, %convert_element_type3A_144 in 0 : vector<2047x256xbf16>, vector<1x256xbf16> -> vector<2048x256xbf16>
    %concatenate3A_149 = tpu.concatenate %concatenate3A_146, %convert_element_type3A_140, %concatenate3A_148 in 1 : vector<2048x256xbf16>, vector<2048x256xbf16>, vector<2048x256xbf16> -> vector<2048x768xbf16>
    %get3A_150 = arith.constant 0 : index
    %get3A_151 = arith.constant 0 : index
    %get3A_152 = vector.load %arg14[%get3A_150, %get3A_151] : memref<768x256xbf16, #tpu.memory_space<vmem>>, vector<768x256xbf16>
    %dot_general3A_153 = arith.constant dense<0.000000e+00> : vector<2048x256xf32>
    %dot_general3A_154 = tpu.matmul %concatenate3A_149, %get3A_152, %dot_general3A_153 {dimension_numbers = #tpu.dot_dimension_numbers<[1], [0], [0], [1], [0, 0, 1, 1], [], []>, transpose_lhs_hint = false} : vector<2048x768xbf16>, vector<768x256xbf16>, vector<2048x256xf32> -> vector<2048x256xf32>
    %get3A_155 = arith.constant 0 : index
    %get3A_156 = arith.constant 0 : index
    %get3A_157 = vector.load %arg15[%get3A_155, %get3A_156] : memref<1x256xf32, #tpu.memory_space<vmem>>, vector<1x256xf32>
    %add3A_158 = vector.broadcast %get3A_157 : vector<1x256xf32> to vector<2048x256xf32>
    %add3A_159 = arith.addf %dot_general3A_154, %add3A_158 : vector<2048x256xf32>
    %max3A_160 = arith.constant 0.000000e+00 : f32
    %max3A_161 = vector.broadcast %max3A_160 : f32 to vector<2048x256xf32>
    %max3A_162 = arith.maximumf %add3A_159, %max3A_161 : vector<2048x256xf32>
    %reduce_sum3A_163 = arith.constant dense<0.000000e+00> : vector<2048xf32>
    %reduce_sum3A_164 = vector.multi_reduction <add>, %max3A_162, %reduce_sum3A_163 [1] : vector<2048x256xf32> to vector<2048xf32>
    %broadcast_in_dim3A_165 = vector.shape_cast %reduce_sum3A_164 : vector<2048xf32> to vector<2048x1xf32>
    %div3A_166 = arith.constant 2.560000e+02 : f32
    %div3A_167 = vector.broadcast %div3A_166 : f32 to vector<2048x1xf32>
    %div3A_168 = arith.divf %broadcast_in_dim3A_165, %div3A_167 : vector<2048x1xf32>
    %mul3A_169 = arith.mulf %max3A_162, %max3A_162 : vector<2048x256xf32>
    %reduce_sum3A_170 = arith.constant dense<0.000000e+00> : vector<2048xf32>
    %reduce_sum3A_171 = vector.multi_reduction <add>, %mul3A_169, %reduce_sum3A_170 [1] : vector<2048x256xf32> to vector<2048xf32>
    %broadcast_in_dim3A_172 = vector.shape_cast %reduce_sum3A_171 : vector<2048xf32> to vector<2048x1xf32>
    %div3A_173 = arith.constant 2.560000e+02 : f32
    %div3A_174 = vector.broadcast %div3A_173 : f32 to vector<2048x1xf32>
    %div3A_175 = arith.divf %broadcast_in_dim3A_172, %div3A_174 : vector<2048x1xf32>
    %mul3A_176 = arith.mulf %div3A_168, %div3A_168 : vector<2048x1xf32>
    %sub3A_177 = arith.subf %div3A_175, %mul3A_176 : vector<2048x1xf32>
    %add3A_178 = arith.constant 9.99999974E-6 : f32
    %add3A_179 = vector.broadcast %add3A_178 : f32 to vector<2048x1xf32>
    %add3A_180 = arith.addf %sub3A_177, %add3A_179 : vector<2048x1xf32>
    %rsqrt3A_181 = math.rsqrt %add3A_180 : vector<2048x1xf32>
    %get3A_182 = arith.constant 0 : index
    %get3A_183 = arith.constant 0 : index
    %get3A_184 = vector.load %arg17[%get3A_182, %get3A_183] : memref<1x256xf32, #tpu.memory_space<vmem>>, vector<1x256xf32>
    %mul3A_185 = vector.broadcast %get3A_184 : vector<1x256xf32> to vector<2048x256xf32>
    %mul3A_186 = arith.mulf %max3A_162, %mul3A_185 : vector<2048x256xf32>
    %reduce_sum3A_187 = arith.constant dense<0.000000e+00> : vector<2048xf32>
    %reduce_sum3A_188 = vector.multi_reduction <add>, %mul3A_186, %reduce_sum3A_187 [1] : vector<2048x256xf32> to vector<2048xf32>
    %broadcast_in_dim3A_189 = vector.shape_cast %reduce_sum3A_188 : vector<2048xf32> to vector<2048x1xf32>
    %get3A_190 = arith.constant 0 : index
    %get3A_191 = arith.constant 0 : index
    %get3A_192 = vector.load %arg18[%get3A_190, %get3A_191] : memref<1x2xf32, #tpu.memory_space<vmem>>, vector<1x1xf32>
    %get3A_193 = vector.extract %get3A_192[0, 0] : f32 from vector<1x1xf32>
    %mul3A_194 = vector.broadcast %get3A_193 : f32 to vector<2048x1xf32>
    %mul3A_195 = arith.mulf %div3A_168, %mul3A_194 : vector<2048x1xf32>
    %sub3A_196 = arith.subf %broadcast_in_dim3A_189, %mul3A_195 : vector<2048x1xf32>
    %mul3A_197 = arith.mulf %rsqrt3A_181, %sub3A_196 : vector<2048x1xf32>
    %get3A_198 = arith.constant 0 : index
    %get3A_199 = arith.constant 1 : index
    %get3A_200 = vector.load %arg18[%get3A_198, %get3A_199] : memref<1x2xf32, #tpu.memory_space<vmem>>, vector<1x1xf32>
    %get3A_201 = vector.extract %get3A_200[0, 0] : f32 from vector<1x1xf32>
    %add3A_202 = vector.broadcast %get3A_201 : f32 to vector<2048x1xf32>
    %add3A_203 = arith.addf %mul3A_197, %add3A_202 : vector<2048x1xf32>
    %gt3A_204 = arith.constant 0.000000e+00 : f32
    %gt3A_205 = vector.broadcast %gt3A_204 : f32 to vector<2048x1xf32>
    %gt3A_206 = arith.cmpf ogt, %get3A_8, %gt3A_205 : vector<2048x1xf32>
    %jit3A_207 = arith.constant 0.000000e+00 : f32
    %broadcast_in_dim3A_208 = vector.broadcast %jit3A_207 : f32 to vector<2048x1xf32>
    %select_n3A_209 = arith.select %gt3A_206, %broadcast_in_dim3A_208, %add3A_203 : vector<2048x1xi1>, vector<2048x1xf32>
    %swap3A_210 = arith.constant 0 : index
    %swap3A_211 = arith.constant 0 : index
    %swap3A_212 = arith.constant 0 : index
    %swap3A_213 = vector.load %arg20[%swap3A_210, %swap3A_211, %swap3A_212] : memref<1x2048x1xf32, #tpu.memory_space<vmem>>, vector<1x2048x1xf32>
    %swap3A_214 = vector.shape_cast %swap3A_213 : vector<1x2048x1xf32> to vector<2048x1xf32>
    %swap3A_215 = vector.shape_cast %select_n3A_209 : vector<2048x1xf32> to vector<1x2048x1xf32>
    tpu.vector_store %arg20[%swap3A_210, %swap3A_211, %swap3A_212], %swap3A_215 {strides = array<i32>} : memref<1x2048x1xf32, #tpu.memory_space<vmem>>, vector<1x2048x1xf32>,
    %get3A_216 = arith.constant 0 : index
    %get3A_217 = arith.constant 0 : index
    %get3A_218 = arith.constant 0 : index
    %get3A_219 = vector.load %arg3[%get3A_216, %get3A_217, %get3A_218] : memref<1x2048x1xf32, #tpu.memory_space<vmem>>, vector<1x2048x1xf32>
    %get3A_220 = vector.shape_cast %get3A_219 : vector<1x2048x1xf32> to vector<2048x1xf32>
    %get3A_221 = arith.constant 0 : index
    %get3A_222 = arith.constant 0 : index
    %get3A_223 = vector.load %arg4[%get3A_221, %get3A_222] : memref<1x256xf32, #tpu.memory_space<vmem>>, vector<1x256xf32>
    %gt3A_224 = vector.broadcast %get3A_220 : vector<2048x1xf32> to vector<2048x256xf32>
    %gt3A_225 = vector.broadcast %get3A_223 : vector<1x256xf32> to vector<2048x256xf32>
    %gt3A_226 = arith.cmpf ogt, %gt3A_224, %gt3A_225 : vector<2048x256xf32>
    %get3A_227 = arith.constant 0 : index
    %get3A_228 = arith.constant 0 : index
    %get3A_229 = vector.load %arg5[%get3A_227, %get3A_228] : memref<1x256xf32, #tpu.memory_space<vmem>>, vector<1x256xf32>
    %le3A = vector.broadcast %get3A_220 : vector<2048x1xf32> to vector<2048x256xf32>
    %le3A_230 = vector.broadcast %get3A_229 : vector<1x256xf32> to vector<2048x256xf32>
    %le3A_231 = arith.cmpf ole, %le3A, %le3A_230 : vector<2048x256xf32>
    %and3A = arith.andi %gt3A_226, %le3A_231 : vector<2048x256xi1>
    %convert_element_type3A_232 = arith.extui %and3A : vector<2048x256xi1> to vector<2048x256xi32>
    %convert_element_type3A_233 = arith.sitofp %convert_element_type3A_232 : vector<2048x256xi32> to vector<2048x256xf32>
    %convert_element_type3A_234 = arith.truncf %convert_element_type3A_233 : vector<2048x256xf32> to vector<2048x256xbf16>
    %get3A_235 = arith.constant 0 : index
    %get3A_236 = arith.constant 0 : index
    %get3A_237 = vector.load %arg6[%get3A_235, %get3A_236] : memref<256x256xbf16, #tpu.memory_space<vmem>>, vector<256x256xbf16>
    %dot_general3A_238 = arith.constant dense<0.000000e+00> : vector<2048x256xf32>
    %dot_general3A_239 = tpu.matmul %convert_element_type3A_234, %get3A_237, %dot_general3A_238 {dimension_numbers = #tpu.dot_dimension_numbers<[1], [0], [0], [1], [0, 0, 1, 1], [], []>, transpose_lhs_hint = false} : vector<2048x256xbf16>, vector<256x256xbf16>, vector<2048x256xf32> -> vector<2048x256xf32>
    %swap3A_240 = arith.constant 0 : index
    %swap3A_241 = arith.constant 0 : index
    %swap3A_242 = arith.constant 0 : index
    %swap3A_243 = vector.load %arg21[%swap3A_240, %swap3A_241, %swap3A_242] : memref<1x2048x256xf32, #tpu.memory_space<vmem>>, vector<1x2048x256xf32>
    %swap3A_244 = vector.shape_cast %swap3A_243 : vector<1x2048x256xf32> to vector<2048x256xf32>
    %swap3A_245 = vector.shape_cast %dot_general3A_239 : vector<2048x256xf32> to vector<1x2048x256xf32>
    tpu.vector_store %arg21[%swap3A_240, %swap3A_241, %swap3A_242], %swap3A_245 {strides = array<i32>} : memref<1x2048x256xf32, #tpu.memory_space<vmem>>, vector<1x2048x256xf32>,
    return
  }
  func.func @transform_0(%arg0: i32) -> (i32, i32, i32) {
    %c0_i32 = arith.constant 0 : i32
    %c0_i32_0 = arith.constant 0 : i32
    %c0_i32_1 = arith.constant 0 : i32
    return %arg0, %c0_i32, %c0_i32_0 : i32, i32, i32
  }
  func.func @transform_1(%arg0: i32) -> (i32, i32, i32) {
    %c0_i32 = arith.constant 0 : i32
    %c0_i32_0 = arith.constant 0 : i32
    %c0_i32_1 = arith.constant 0 : i32
    return %arg0, %c0_i32, %c0_i32_0 : i32, i32, i32
  }
  func.func @transform_2(%arg0: i32) -> (i32, i32, i32) {
    %c0_i32 = arith.constant 0 : i32
    %c0_i32_0 = arith.constant 0 : i32
    %c0_i32_1 = arith.constant 0 : i32
    return %arg0, %c0_i32, %c0_i32_0 : i32, i32, i32
  }
  func.func @transform_3(%arg0: i32) -> (i32, i32) {
    %c0_i32 = arith.constant 0 : i32
    %c0_i32_0 = arith.constant 0 : i32
    %c0_i32_1 = arith.constant 0 : i32
    return %c0_i32, %c0_i32_0 : i32, i32
  }
  func.func @transform_4(%arg0: i32) -> (i32, i32) {
    %c0_i32 = arith.constant 0 : i32
    %c0_i32_0 = arith.constant 0 : i32
    %c0_i32_1 = arith.constant 0 : i32
    return %c0_i32, %c0_i32_0 : i32, i32
  }
  func.func @transform_5(%arg0: i32) -> (i32, i32) {
    %c0_i32 = arith.constant 0 : i32
    %c0_i32_0 = arith.constant 0 : i32
    %c0_i32_1 = arith.constant 0 : i32
    return %c0_i32, %c0_i32_0 : i32, i32
  }
  func.func @transform_6(%arg0: i32) -> (i32, i32) {
    %c0_i32 = arith.constant 0 : i32
    %c0_i32_0 = arith.constant 0 : i32
    %c0_i32_1 = arith.constant 0 : i32
    return %c0_i32, %c0_i32_0 : i32, i32
  }
  func.func @transform_7(%arg0: i32) -> (i32, i32) {
    %c0_i32 = arith.constant 0 : i32
    %c0_i32_0 = arith.constant 0 : i32
    %c0_i32_1 = arith.constant 0 : i32
    return %c0_i32, %c0_i32_0 : i32, i32
  }
  func.func @transform_8(%arg0: i32) -> (i32, i32) {
    %c0_i32 = arith.constant 0 : i32
    %c0_i32_0 = arith.constant 0 : i32
    %c0_i32_1 = arith.constant 0 : i32
    return %c0_i32, %c0_i32_0 : i32, i32
  }
  func.func @transform_9(%arg0: i32) -> (i32, i32) {
    %c0_i32 = arith.constant 0 : i32
    %c0_i32_0 = arith.constant 0 : i32
    %c0_i32_1 = arith.constant 0 : i32
    return %c0_i32, %c0_i32_0 : i32, i32
  }
  func.func @transform_10(%arg0: i32) -> (i32, i32) {
    %c0_i32 = arith.constant 0 : i32
    %c0_i32_0 = arith.constant 0 : i32
    %c0_i32_1 = arith.constant 0 : i32
    return %c0_i32, %c0_i32_0 : i32, i32
  }
  func.func @transform_11(%arg0: i32) -> (i32, i32) {
    %c0_i32 = arith.constant 0 : i32
    %c0_i32_0 = arith.constant 0 : i32
    %c0_i32_1 = arith.constant 0 : i32
    return %c0_i32, %c0_i32_0 : i32, i32
  }
  func.func @transform_12(%arg0: i32) -> (i32, i32) {
    %c0_i32 = arith.constant 0 : i32
    %c0_i32_0 = arith.constant 0 : i32
    %c0_i32_1 = arith.constant 0 : i32
    return %c0_i32, %c0_i32_0 : i32, i32
  }
  func.func @transform_13(%arg0: i32) -> (i32, i32) {
    %c0_i32 = arith.constant 0 : i32
    %c0_i32_0 = arith.constant 0 : i32
    %c0_i32_1 = arith.constant 0 : i32
    return %c0_i32, %c0_i32_0 : i32, i32
  }
  func.func @transform_14(%arg0: i32) -> (i32, i32) {
    %c0_i32 = arith.constant 0 : i32
    %c0_i32_0 = arith.constant 0 : i32
    %c0_i32_1 = arith.constant 0 : i32
    return %c0_i32, %c0_i32_0 : i32, i32
  }
  func.func @transform_15(%arg0: i32) -> (i32, i32) {
    %c0_i32 = arith.constant 0 : i32
    %c0_i32_0 = arith.constant 0 : i32
    %c0_i32_1 = arith.constant 0 : i32
    return %c0_i32, %c0_i32_0 : i32, i32
  }
  func.func @transform_16(%arg0: i32) -> (i32, i32) {
    %c0_i32 = arith.constant 0 : i32
    %c0_i32_0 = arith.constant 0 : i32
    %c0_i32_1 = arith.constant 0 : i32
    return %c0_i32, %c0_i32_0 : i32, i32
  }
  func.func @transform_17(%arg0: i32) -> (i32, i32) {
    %c0_i32 = arith.constant 0 : i32
    %c0_i32_0 = arith.constant 0 : i32
    %c0_i32_1 = arith.constant 0 : i32
    return %c0_i32, %c0_i32_0 : i32, i32
  }
  func.func @transform_18(%arg0: i32) -> (i32, i32, i32) {
    %c0_i32 = arith.constant 0 : i32
    %c0_i32_0 = arith.constant 0 : i32
    %c0_i32_1 = arith.constant 0 : i32
    return %arg0, %c0_i32, %c0_i32_0 : i32, i32, i32
  }
  func.func @transform_19(%arg0: i32) -> (i32, i32, i32) {
    %c0_i32 = arith.constant 0 : i32
    %c0_i32_0 = arith.constant 0 : i32
    %c0_i32_1 = arith.constant 0 : i32
    return %arg0, %c0_i32, %c0_i32_0 : i32, i32, i32
  }
  func.func @transform_20(%arg0: i32) -> (i32, i32, i32) {
    %c0_i32 = arith.constant 0 : i32
    %c0_i32_0 = arith.constant 0 : i32
    %c0_i32_1 = arith.constant 0 : i32
    return %arg0, %c0_i32, %c0_i32_0 : i32, i32, i32
  }
}

</mosaic_0001>

<sc_bundles>
// kernel: kernel.5.cloned.1.call-start
scs
__scs_entry_jumppad:
0x0: {  	(pc) =	sbr.rel $0x88, $3  }
0x1: {  	(tag) =	ssettag $0x0;
	lr =	simm.s32 $0x1  }
0x2: {  	[smem:$0x3F85] =	sst lr;
	_ =	strace $0xD0000000  }
0x3: {  	_ = 	snop  }
0x4: {  	_ = 	snop  }
0x5: {  	_ = 	snop  }
0x6: {  	_ = 	snop  }
0x7: {  	_ = 	snop  }
__scs_overlays_trampoline_lowered:
0x8: {  	[smem:$0x3F94] =	sst s0  }
0x9: {  	[smem:$0x3F95] =	sst s1  }
0xa: {  	[smem:$0x3F96] =	sst s2  }
0xb: {  	[smem:$0x3F97] =	sst s3  }
0xc: {  	[smem:$0x3F98] =	sst s4  }
0xd: {  	[smem:$0x3F99] =	sst s5  }
0xe: {  	[smem:$0x3F9A] =	sst s6  }
0xf: {  	[smem:$0x3F9B] =	sst s7  }
0x10: {  	[smem:$0x3F9C] =	sst s8  }
0x11: {  	[smem:$0x3F9D] =	sst s9;
	s0 =	simm.s32 @!p0 $0x0  }
0x12: {  	s1 =	sld [smem:$0x3F83];
	s0 =	simm.s32 @p0 $0x1  }
0x13: {  	[smem:$0x3F9E] =	sst s0;
	s0 =	simm.s32 @!p1 $0x0  }
0x14: {  	s2 =	sld [smem:$0x3F82];
	s0 =	simm.s32 @p1 $0x1  }
0x15: {  	[smem:$0x3F9F] =	sst s0;
	s0 =	simm.s32 @!p2 $0x0  }
0x16: {  	s3 =	sld [smem:$0x3FDB];
	s0 =	simm.s32 @p2 $0x1  }
0x17: {  	s4 =	simm.s32 $0x1BF5;
	[smem:$0x3FA1] =	sst s0  }
0x18: {  	s0 =	sld [smem:$0x3F84];
	_ =	swait.ge [sflag:s4], $0x0  }
0x19: {  	s7 =	sld [smem:$0x3F85]  }
0x1a: {  	s8 =	sadd.s32 $0xFFFFE003, lr  }
0x1b: {  	s9 =	sadd.s32 $0xFFFFFEF7, lr;
	s5 =	simm.s32 $0xFFFFFFFF;
	p2 =	slt.u32 s8, $0xFFFFF086  }
0x1c: {  	p1 =	slt.u32 s9, $0xF7A;
	s5 =	simm.s32 @!p2 $0x0  }
0x1d: {  	s5 =	simm.s32 @p1 $0x1;
	p0 =	seq.s32 s7, s2  }
0x1e: {  	s7 =	smul.u32 @!p0 $0xF7A, s2;
	p2 =	seq.s32 @!p0 s5, $0x0  }
0x1f: {  	s9 =	smul.u32 $0xF7A, s1;
	s8 =	simm.s32 @!p0 $0x1BF5;
	p2 =	por !p2, p0  }
0x20: {  	[sflag:s8] =	ssyncset.s32 @!p0 $0xFFFFF086;
	s6 =	sadd.s32 @!p0 s3, s7;
	s7 =	simm.s32 @!p0 $0x108  }
0x21: {  	s3 =	sadd.s32 s3, s9;
	s6 =	sadd.s32 @!p0 $0x88, s6;
	s7 =	simm.s32 @p2 $0x1082  }
0x22: {  	[simem:s7], [sflag:s8] =	dma.local @!p0 [hbm:s6], $0xF7A  }
0x23: {  	s9 =	sor.u32 $0xD0000000, s2;
	s6 =	simm.s32 $0x108;
	_ =	swait.ge @!p0 [sflag:s8], $0x0  }
0x24: {  	s3 =	sadd.s32 $0x88, s3;
	s6 =	simm.s32 @!p1 $0x1082;
	[sflag:s4] =	ssyncset.s32 $0xFFFFF086  }
0x25: {  	[simem:s6], [sflag:s4] =	dma.local [hbm:s3], $0xF7A  }
0x26: {  	[smem:$0x3F85] =	sst s1;
	(tag) =	ssettag s2;
	_ =	strace s9  }
0x27: {  	s1 =	sld [smem:$0x3F95]  }
0x28: {  	s2 =	sld [smem:$0x3F96]  }
0x29: {  	s4 =	sld [smem:$0x3F98]  }
0x2a: {  	p0 =	seq.s32 s5, $0x0;
	s5 =	sld [smem:$0x3F99]  }
0x2b: {  	s6 =	sld [smem:$0x3F9A]  }
0x2c: {  	s7 =	sld [smem:$0x3F9B]  }
0x2d: {  	s3 =	simm.s32 $0x108;
	s8 =	sld [smem:$0x3F9C]  }
0x2e: {  	s3 =	simm.s32 @!p0 $0x1082;
	s9 =	sld [smem:$0x3F9D]  }
0x2f: {  	lr =	sadd.s32 s0, s3;
	s0 =	sld [smem:$0x3F94]  }
0x30: {  	s3 =	sld [smem:$0x3F97]  }
0x31: {  	[smem:$0x3FA0] =	sst s10  }
0x32: {  	s10 =	sld [smem:$0x3F9E];
	_ =	sdelay $0x3  }
0x33: {  	p0 =	seq.s32 s10, $0x1;
	s10 =	sld [smem:$0x3FA0];
	_ =	sdelay $0x3  }
0x34: {  	[smem:$0x3FA0] =	sst s10  }
0x35: {  	s10 =	sld [smem:$0x3F9F];
	_ =	sdelay $0x3  }
0x36: {  	p1 =	seq.s32 s10, $0x1;
	s10 =	sld [smem:$0x3FA0];
	_ =	sdelay $0x3  }
0x37: {  	[smem:$0x3FA0] =	sst s10  }
0x38: {  	s10 =	sld [smem:$0x3FA1]  }
0x39: {  	_ = 	snop;
	(pc) =	sbr.ind lr, $3  }
0x3a: {  	_ = 	snop  }
0x3b: {  	_ = 	snop  }
0x3c: {  	p2 =	seq.s32 s10, $0x1;
	s10 =	sld [smem:$0x3FA0]  }
0x3d: {  	_ =	shalt  }
0x3e: {  	_ =	shalt  }
0x3f: {  	_ =	shalt  }
0x40: {  	_ =	shalt  }
0x41: {  	_ =	shalt  }
0x42: {  	_ =	shalt  }
0x43: {  	_ =	shalt  }
0x44: {  	_ =	shalt  }
0x45: {  	_ =	shalt  }
0x46: {  	_ =	shalt  }
0x47: {  	_ =	shalt  }
0x48: {  	_ =	shalt  }
0x49: {  	_ =	shalt  }
0x4a: {  	_ =	shalt  }
0x4b: {  	_ =	shalt  }
0x4c: {  	_ =	shalt  }
0x4d: {  	_ =	shalt  }
0x4e: {  	_ =	shalt  }
0x4f: {  	_ =	shalt  }
0x50: {  	_ =	shalt  }
0x51: {  	_ =	shalt  }
0x52: {  	_ =	shalt  }
0x53: {  	_ =	shalt  }
0x54: {  	_ =	shalt  }
0x55: {  	_ =	shalt  }
0x56: {  	_ =	shalt  }
0x57: {  	_ =	shalt  }
0x58: {  	_ =	shalt  }
0x59: {  	_ =	shalt  }
0x5a: {  	_ =	shalt  }
0x5b: {  	_ =	shalt  }
0x5c: {  	_ =	shalt  }
0x5d: {  	_ =	shalt  }
0x5e: {  	_ =	shalt  }
0x5f: {  	_ =	shalt  }
0x60: {  	_ =	shalt  }
0x61: {  	_ =	shalt  }
0x62: {  	_ =	shalt  }
0x63: {  	_ =	shalt  }
0x64: {  	_ =	shalt  }
0x65: {  	_ =	shalt  }
0x66: {  	_ =	shalt  }
0x67: {  	_ =	shalt  }
0x68: {  	_ =	shalt  }
0x69: {  	_ =	shalt  }
0x6a: {  	_ =	shalt  }
0x6b: {  	_ =	shalt  }
0x6c: {  	_ =	shalt  }
0x6d: {  	_ =	shalt  }
0x6e: {  	_ =	shalt  }
0x6f: {  	_ =	shalt  }
0x70: {  	_ =	shalt  }
0x71: {  	_ =	shalt  }
0x72: {  	_ =	shalt  }
0x73: {  	_ =	shalt  }
0x74: {  	_ =	shalt  }
0x75: {  	_ =	shalt  }
0x76: {  	_ =	shalt  }
0x77: {  	_ =	shalt  }
0x78: {  	_ =	shalt  }
0x79: {  	_ =	shalt  }
0x7a: {  	_ =	shalt  }
0x7b: {  	_ =	shalt  }
0x7c: {  	_ =	shalt  }
0x7d: {  	_ =	shalt  }
0x7e: {  	_ =	shalt  }
0x7f: {  	_ =	shalt  }
0x80: {  	_ =	shalt  }
0x81: {  	_ =	shalt  }
0x82: {  	_ =	shalt  }
0x83: {  	_ =	shalt  }
0x84: {  	_ =	shalt  }
0x85: {  	_ =	shalt  }
0x86: {  	_ =	shalt  }
0x87: {  	_ =	shalt  }
.Lfunc_end0:
.L_simem_size_0:
called_computation_lowered:
.L_overlay_start_0:
0x88: {  	s2 =	sld [smem:$0x3FD9]  }
0x89: {  	s3 =	sld [smem:$0x3FFE];
	_ =	sdelay $0x1  }
0x8a: {  	s1 =	srdreg.scid  }
0x8b: {  	s0 =	sand.u32 $0x1, s1  }
0x8c: {  	s14 =	sshll.u32 s0, $0xA;
	s2 =	sadd.s32 s3, s2  }
0x8d: {  	s2 =	sadd.s32 s2, s14  }
0x8e: {  	[smem:$0x3FAC] =	sst s2  }
0x8f: {  	_ = 	snop  }
0x90: {  	s2 =	sld [smem:$0x3FD0];
	_ =	sdelay $0x2  }
0x91: {  	s4 =	simm.s32 $0xA;
	s5 =	simm.s32 $0x10;
	s15 =	sld [smem:$0x3FC3]  }
0x92: {  	[smem:s5], [sflag:s4] =	dma.local [hbm:s2], $0x1  }
0x93: {  	_ =	swait.eq [sflag:s4], $0x1  }
0x94: {  	[sflag:s4] =	ssyncset.done $0x0  }
0x95: {  	[sflag:s4] =	ssyncadd.s32 $0xFFFFFFFF  }
0x96: {  	s16 =	sld [smem:$0x11];
	(tm) =	ssettm $0x1  }
0x97: {  	s17 =	sld [smem:$0x3FFB];
	_ =	sdelay $0x3  }
0x98: {  	_ =	strace s17  }
0x99: {  	s4 =	sld [smem:$0x3FFC];
	_ =	sdelay $0x3  }
0x9a: {  	_ =	strace s4  }
0x9b: {  	s4 =	sld [smem:$0x3FFD];
	_ =	sdelay $0x3  }
0x9c: {  	_ =	strace s4  }
0x9d: {  	_ =	strace $0x8FFFFFFF  }
0x9e: {  	s18 =	sld [smem:$0x3FDB];
	_ =	sdelay $0x1  }
0x9f: {  	s19 =	simm.s32 $_scs_section_size  }
0xa0: {  	s6 =	simm.s32 $_size__tile_overlayer_lowered;
	s7 =	simm.s32 $_tile_overlayer_lowered  }
0xa1: {  	s22 =	simm.s32 $0x1BFF;
	s21 =	sshll.u32 s7, $0x1;
	s4 =	sadd.s32 s19, s18  }
0xa2: {  	s8 =	simm.s32 $0x0;
	s20 =	sshll.u32 s6, $0x1;
	s6 =	sadd.s32 s21, s4  }
0xa3: {  	[timem:s8], [sflag:s22] =	dma.local [hbm:s6], s20  }
0xa4: {  	_ =	swait.ge [sflag:s22], s20  }
0xa5: {  	s5 =	ssub.s32 $0x0, s20;
	[sflag:s22] =	ssyncset.done $0x0  }
0xa6: {  	[sflag:s22] =	ssyncadd.s32 s5;
	_ =	sdelay $0x1  }
0xa7: {  	s23 =	simm.s32 $0x1B8B  }
0xa8: {  	_ =	swait.ge [sflag:s23], $0x1  }
0xa9: {  	[sflag:s23] =	ssyncset.done $0x0  }
0xaa: {  	s25 =	simm.s32 $0x1B8E;
	s24 =	sld [smem:$0x3FFE];
	[sflag:s23] =	ssyncadd.s32 $0xFFFFFFFF  }
0xab: {  	s26 =	simm.s32 $execute0_lowered;
	[smem:$0x3FD2] =	sst s25  }
0xac: {  	s6 =	sshll.u32 s26, $0x1;
	_ =	strace $0x80000046;
	[dreg:$0x1] =	wrdreg $0xFFFFFFFF  }
0xad: {  	s28 =	simm.s32 $_size_execute0_lowered;
	s4 =	sadd.s32 s4, s6;
	[dreg:$0x0] =	wrdreg $0x0  }
0xae: {  	s6 =	sshll.u32 s28, $0x1;
	[dreg:$0x2] =	wrdreg s4  }
0xaf: {  	[dreg:$0x3] =	wrdreg s6  }
0xb0: {  	[dreg:$0x4] =	wrdreg $0xC0  }
0xb1: {  	_ =	task [dreg:s8], $0x5FFFF  }
0xb2: {  	[dreg:$0x1] =	wrdreg $0xFFFFFFFF  }
0xb3: {  	[dreg:$0x0] =	wrdreg $0x60  }
0xb4: {  	[dreg:$0x2] =	wrdreg s24  }
0xb5: {  	[dreg:$0x3] =	wrdreg s15  }
0xb6: {  	[dreg:$0x4] =	wrdreg s16  }
0xb7: {  	[dreg:$0x5] =	wrdreg $0x9  }
0xb8: {  	_ =	task.clear_ibuf [dreg:s8], $0x6FFFF;
	_ =	strace $0x90000046  }
0xb9: {  	s29 =	simm.s32 $0x9;
	_ =	strace $0x80000048  }
0xba: {  	_ =	swait.ge [sflag:s29], $0x1  }
0xbb: {  	[sflag:s29] =	ssyncadd.s32 $0xFFFFFFFF  }
0xbc: {  	_ =	strace $0x90000048  }
0xbd: {  	_ =	sfence  }
0xbe: {  	s30 =	sld [smem:$0x0];
	_ =	sdelay $0x2  }
0xbf: {  	s31 =	sshll.u32 s1, $0xD;
	s1 =	sshrl.u32 s1, $0x2  }
0xc0: {  	s3 =	sand.u32 $0x4000, s31;
	s1 =	sadd.s32 s1, s30  }
0xc1: {  	s0 =	sor.u32 s3, s0;
	s1 =	sshll.u32 s1, $0x11  }
0xc2: {  	s0 =	sor.u32 s1, s0  }
0xc3: {  	s0 =	sadd.s32 $0x8F2B, s0  }
0xc4: {  	[sflag:s0] =	ssyncadd.remote.s32 $0x1  }
0xc5: {  	_ =	sfence.sel $0xFFFF  }
0xc6: {  	[dreg:$0x0] =	wrdreg $0xFFFFFFFF;
	(pc) =	sbr.abs _section_cstart, $3  }
0xc7: {  	[dreg:$0x1] =	wrdreg $0xFFFFFFFF  }
0xc8: {  	_ =	task.clear_ibuf [dreg:s8], $0x2FFFF;
	_ =	strace $0x9FFFFFFF  }
0xc9: {  	(tm) =	ssettm $0x7FFFFFFF  }
tec
execute0_lowered:
.L_overlay_start_1:
0x0: {  	(tag) =	ssettag $0x1  }
0x1: {  	s0 =	rddreg [dreg:$0x0]  }
0x2: {  	s2 =	rddreg [dreg:$0x1]  }
0x3: {  	s1 =	rddreg [dreg:$0x2];
	s3 =	srdreg.scid  }
0x4: {  	s7 =	stileid.u32;
	s30 =	simm.s32 $0x1000;
	s17 =	simm.s32 $0x1800  }
0x5: {  	s18 =	simm.s32 $0x2000;
	s19 =	simm.s32 $0x2800;
	s20 =	simm.s32 $0x3000  }
0x6: {  	s21 =	simm.s32 $0x3800;
	s22 =	simm.s32 $0x4000;
	s28 =	simm.s32 $0x6000  }
0x7: {  	s29 =	simm.s32 $0x6800;
	s9 =	simm.s32 $0xA800;
	s10 =	simm.s32 $0xB000  }
0x8: {  	s11 =	simm.s32 $0xB800;
	s8 =	simm.s32 $0xC000;
	s31 =	simm.s32 $0xC800  }
0x9: {  	s12 =	simm.s32 $0x1;
	s13 =	simm.s32 $0x2;
	s14 =	simm.s32 $0x3  }
0xa: {  	s15 =	simm.s32 $0x4;
	s16 =	simm.s32 $0x0;
	s4 =	sand.u32 $0x1, s3  }
0xb: {  	s3 =	simm.s32 $0x0;
	s5 =	sshll.u32 s7, $0xA;
	s25 =	sshll.u32 s7, $0x12  }
0xc: {  	s7 =	simm.s32 $0xA000;
	s6 =	sshll.u32 s4, $0x9;
	[smem:$0x7FF] =	sst s3  }
0xd: {  	s23 =	ssub.s32 $0x2, s4;
	s26 =	sshll.u32 s4, $0x11;
	s4 =	simm.s32 $0x8000  }
0xe: {  	s5 =	sor.u32 s6, s5;
	_ =	strace $0x80000047;
	s24 =	sshrl.u32 s23, $0x1  }
0xf: {  	s6 =	simm.s32 $0x9800;
	[dreg:$0x7] =	wrdreg s16;
	s0 =	sadd.s32 s5, s0  }
0x10: {  	s5 =	ssub.s32 s23, s24;
	s23 =	simm.s32 $0x4800;
	s0 =	sadd.s32 $0xA00, s0  }
0x11: {  	s24 =	simm.s32 $0x9000;
	s5 =	smax.u32 s5, $0x1;
	[dreg:$0x4] =	wrdreg s0  }
0x12: {  	v2 =	vlaneseq.u32;
	[dreg:$0x5] =	wrdreg s5;
	s0 =	sadd.s32 s25, s1;
	s25 =	simm.s32 $0x5000  }
0x13: {  	vm0 =	vmmov $0xffff;
	v1 =	vshrl.u32 v2, $0x3;
	s1 =	simm.s32 $0x7800;
	s5 =	simm.s32 $0x8800;
	s0 =	sadd.s32 s26, s0  }
0x14: {  	v0 =	vand.u32 $0x7, v2;
	v2 =	vor.u32 $0x8, v2;
	v1 =	vmul.u32 $0x8, v1;
	s26 =	simm.s32 $0x5800;
	[dreg:$0x6] =	wrdreg s0;
	s0 =	simm.s32 $0x7000  }
.LBB2_1:
0x15: {  	s16 =	rddreg [dreg:$0x4]  }
0x16: {  	[tilespmem:s3], [sflag:$0x5] =	stream.linear.gather [hbm4b:s16+s3], $0x1000, $0x38;
	[tilespmem:$0x11000] =	vst v63  }
0x17: {  	s16 =	simm.s32 $0x5  }
0x18: {  	_ =	swait.ge [sflag:s16], $0x1000  }
0x19: {  	[sflag:s16] =	ssyncset.done $0x0  }
0x1a: {  	[sflag:s16] =	ssyncadd.s32 $0xFFFFF000  }
0x1b: {  	v3 =	vld [tilespmem:$0x0];
	_ =	sdelay $0x4  }
0x1c: {  	v4 =	vshll.u32 v3, $0x1  }
0x1d: {  	v3 =	vand.u32 $0x7, v3;
	v4 =	vand.u32 $0xFFFFFFF0, v4  }
0x1e: {  	v3 =	vor.u32 v3, v4  }
0x1f: {  	v4 =	vperm.xlane v3, v0;
	_ =	sdelay $0x1  }
0x20: {  	v3 =	vperm.xlane v3, v2;
	v4 =	vadd.s32 v1, v4;
	_ =	sdelay $0x1  }
0x21: {  	v3 =	vadd.s32 v1, v3;
	_ =	sdelay $0x2  }
0x22: {  	[tilespmem:s30], [sflag:$0x1] =	stream.indirect_vreg.gather [hbm4b:s2+s3], $0x80, v4, vm0, $0xb8;
	[tilespmem:$0x11000] =	vst v63  }
0x23: {  	_ = 	snop  }
0x24: {  	[tilespmem:s17], [sflag:$0x1] =	stream.indirect_vreg.gather [hbm4b:s2+s3], $0x80, v3, vm0, $0xb8;
	[tilespmem:$0x11000] =	vst v63  }
0x25: {  	v3 =	vld [tilespmem:$0x10];
	_ =	sdelay $0x4  }
0x26: {  	v49 =	vshll.u32 v3, $0x1  }
0x27: {  	v3 =	vand.u32 $0x7, v3;
	v4 =	vand.u32 $0xFFFFFFF0, v49  }
0x28: {  	v3 =	vor.u32 v3, v4  }
0x29: {  	v4 =	vperm.xlane v3, v0;
	_ =	sdelay $0x1  }
0x2a: {  	v3 =	vperm.xlane v3, v2;
	v4 =	vadd.s32 v1, v4;
	_ =	sdelay $0x1  }
0x2b: {  	v3 =	vadd.s32 v1, v3;
	_ =	sdelay $0x2  }
0x2c: {  	[tilespmem:s18], [sflag:$0x1] =	stream.indirect_vreg.gather [hbm4b:s2+s3], $0x80, v4, vm0, $0xb8;
	[tilespmem:$0x11000] =	vst v63  }
0x2d: {  	_ = 	snop  }
0x2e: {  	[tilespmem:s19], [sflag:$0x1] =	stream.indirect_vreg.gather [hbm4b:s2+s3], $0x80, v3, vm0, $0xb8;
	[tilespmem:$0x11000] =	vst v63  }
0x2f: {  	v3 =	vld [tilespmem:$0x20];
	_ =	sdelay $0x4  }
0x30: {  	v50 =	vshll.u32 v3, $0x1  }
0x31: {  	v3 =	vand.u32 $0x7, v3;
	v4 =	vand.u32 $0xFFFFFFF0, v50  }
0x32: {  	v3 =	vor.u32 v3, v4  }
0x33: {  	v4 =	vperm.xlane v3, v0;
	_ =	sdelay $0x1  }
0x34: {  	v3 =	vperm.xlane v3, v2;
	v4 =	vadd.s32 v1, v4;
	_ =	sdelay $0x1  }
0x35: {  	v3 =	vadd.s32 v1, v3;
	_ =	sdelay $0x2  }
0x36: {  	[tilespmem:s20], [sflag:$0x1] =	stream.indirect_vreg.gather [hbm4b:s2+s3], $0x80, v4, vm0, $0xb8;
	[tilespmem:$0x11000] =	vst v63  }
0x37: {  	_ = 	snop  }
0x38: {  	[tilespmem:s21], [sflag:$0x1] =	stream.indirect_vreg.gather [hbm4b:s2+s3], $0x80, v3, vm0, $0xb8;
	[tilespmem:$0x11000] =	vst v63  }
0x39: {  	v3 =	vld [tilespmem:$0x30];
	_ =	sdelay $0x4  }
0x3a: {  	v51 =	vshll.u32 v3, $0x1  }
0x3b: {  	v3 =	vand.u32 $0x7, v3;
	v4 =	vand.u32 $0xFFFFFFF0, v51  }
0x3c: {  	v3 =	vor.u32 v3, v4  }
0x3d: {  	v4 =	vperm.xlane v3, v0;
	_ =	sdelay $0x1  }
0x3e: {  	v3 =	vperm.xlane v3, v2;
	v4 =	vadd.s32 v1, v4;
	_ =	sdelay $0x1  }
0x3f: {  	v3 =	vadd.s32 v1, v3;
	_ =	sdelay $0x2  }
0x40: {  	[tilespmem:s22], [sflag:$0x1] =	stream.indirect_vreg.gather [hbm4b:s2+s3], $0x80, v4, vm0, $0xb8;
	[tilespmem:$0x11000] =	vst v63  }
0x41: {  	_ = 	snop  }
0x42: {  	[tilespmem:s23], [sflag:$0x1] =	stream.indirect_vreg.gather [hbm4b:s2+s3], $0x80, v3, vm0, $0xb8;
	[tilespmem:$0x11000] =	vst v63  }
0x43: {  	v3 =	vld [tilespmem:$0x40];
	_ =	sdelay $0x4  }
0x44: {  	v52 =	vshll.u32 v3, $0x1  }
0x45: {  	v3 =	vand.u32 $0x7, v3;
	v4 =	vand.u32 $0xFFFFFFF0, v52  }
0x46: {  	v3 =	vor.u32 v3, v4  }
0x47: {  	v4 =	vperm.xlane v3, v0;
	_ =	sdelay $0x1  }
0x48: {  	v3 =	vperm.xlane v3, v2;
	v4 =	vadd.s32 v1, v4;
	_ =	sdelay $0x1  }
0x49: {  	v3 =	vadd.s32 v1, v3;
	_ =	sdelay $0x2  }
0x4a: {  	[tilespmem:s25], [sflag:$0x1] =	stream.indirect_vreg.gather [hbm4b:s2+s3], $0x80, v4, vm0, $0xb8;
	[tilespmem:$0x11000] =	vst v63  }
0x4b: {  	_ = 	snop  }
0x4c: {  	[tilespmem:s26], [sflag:$0x1] =	stream.indirect_vreg.gather [hbm4b:s2+s3], $0x80, v3, vm0, $0xb8;
	[tilespmem:$0x11000] =	vst v63  }
0x4d: {  	v3 =	vld [tilespmem:$0x50];
	_ =	sdelay $0x4  }
0x4e: {  	v53 =	vshll.u32 v3, $0x1  }
0x4f: {  	v3 =	vand.u32 $0x7, v3;
	v4 =	vand.u32 $0xFFFFFFF0, v53  }
0x50: {  	v3 =	vor.u32 v3, v4  }
0x51: {  	v4 =	vperm.xlane v3, v0;
	_ =	sdelay $0x1  }
0x52: {  	v3 =	vperm.xlane v3, v2;
	v4 =	vadd.s32 v1, v4;
	_ =	sdelay $0x1  }
0x53: {  	v3 =	vadd.s32 v1, v3;
	_ =	sdelay $0x2  }
0x54: {  	[tilespmem:s28], [sflag:$0x1] =	stream.indirect_vreg.gather [hbm4b:s2+s3], $0x80, v4, vm0, $0xb8;
	[tilespmem:$0x11000] =	vst v63  }
0x55: {  	_ = 	snop  }
0x56: {  	[tilespmem:s29], [sflag:$0x1] =	stream.indirect_vreg.gather [hbm4b:s2+s3], $0x80, v3, vm0, $0xb8;
	[tilespmem:$0x11000] =	vst v63  }
0x57: {  	v3 =	vld [tilespmem:$0x60];
	_ =	sdelay $0x4  }
0x58: {  	v54 =	vshll.u32 v3, $0x1  }
0x59: {  	v3 =	vand.u32 $0x7, v3;
	v4 =	vand.u32 $0xFFFFFFF0, v54  }
0x5a: {  	v3 =	vor.u32 v3, v4  }
0x5b: {  	v4 =	vperm.xlane v3, v0;
	_ =	sdelay $0x1  }
0x5c: {  	v3 =	vperm.xlane v3, v2;
	v4 =	vadd.s32 v1, v4;
	_ =	sdelay $0x1  }
0x5d: {  	v3 =	vadd.s32 v1, v3;
	_ =	sdelay $0x2  }
0x5e: {  	[tilespmem:s0], [sflag:$0x1] =	stream.indirect_vreg.gather [hbm4b:s2+s3], $0x80, v4, vm0, $0xb8;
	[tilespmem:$0x11000] =	vst v63  }
0x5f: {  	_ = 	snop  }
0x60: {  	[tilespmem:s1], [sflag:$0x1] =	stream.indirect_vreg.gather [hbm4b:s2+s3], $0x80, v3, vm0, $0xb8;
	[tilespmem:$0x11000] =	vst v63  }
0x61: {  	v3 =	vld [tilespmem:$0x70];
	_ =	sdelay $0x4  }
0x62: {  	v55 =	vshll.u32 v3, $0x1  }
0x63: {  	v3 =	vand.u32 $0x7, v3;
	v4 =	vand.u32 $0xFFFFFFF0, v55  }
0x64: {  	v3 =	vor.u32 v3, v4  }
0x65: {  	v4 =	vperm.xlane v3, v0;
	_ =	sdelay $0x1  }
0x66: {  	v3 =	vperm.xlane v3, v2;
	v4 =	vadd.s32 v1, v4;
	_ =	sdelay $0x1  }
0x67: {  	v3 =	vadd.s32 v1, v3;
	_ =	sdelay $0x2  }
0x68: {  	[tilespmem:s4], [sflag:$0x1] =	stream.indirect_vreg.gather [hbm4b:s2+s3], $0x80, v4, vm0, $0xb8;
	[tilespmem:$0x11000] =	vst v63  }
0x69: {  	_ = 	snop  }
0x6a: {  	[tilespmem:s5], [sflag:$0x1] =	stream.indirect_vreg.gather [hbm4b:s2+s3], $0x80, v3, vm0, $0xb8;
	[tilespmem:$0x11000] =	vst v63  }
0x6b: {  	v3 =	vld [tilespmem:$0x80];
	_ =	sdelay $0x4  }
0x6c: {  	v56 =	vshll.u32 v3, $0x1  }
0x6d: {  	v3 =	vand.u32 $0x7, v3;
	v4 =	vand.u32 $0xFFFFFFF0, v56  }
0x6e: {  	v3 =	vor.u32 v3, v4  }
0x6f: {  	v4 =	vperm.xlane v3, v0;
	_ =	sdelay $0x1  }
0x70: {  	v3 =	vperm.xlane v3, v2;
	v4 =	vadd.s32 v1, v4;
	_ =	sdelay $0x1  }
0x71: {  	v3 =	vadd.s32 v1, v3;
	_ =	sdelay $0x2  }
0x72: {  	[tilespmem:s24], [sflag:$0x2] =	stream.indirect_vreg.gather [hbm4b:s2+s3], $0x80, v4, vm0, $0xb8;
	[tilespmem:$0x11000] =	vst v63  }
0x73: {  	_ = 	snop  }
0x74: {  	[tilespmem:s6], [sflag:$0x2] =	stream.indirect_vreg.gather [hbm4b:s2+s3], $0x80, v3, vm0, $0xb8;
	[tilespmem:$0x11000] =	vst v63  }
0x75: {  	v3 =	vld [tilespmem:$0x90];
	_ =	sdelay $0x4  }
0x76: {  	v57 =	vshll.u32 v3, $0x1  }
0x77: {  	v3 =	vand.u32 $0x7, v3;
	v4 =	vand.u32 $0xFFFFFFF0, v57  }
0x78: {  	v3 =	vor.u32 v3, v4  }
0x79: {  	v4 =	vperm.xlane v3, v0;
	_ =	sdelay $0x1  }
0x7a: {  	v3 =	vperm.xlane v3, v2;
	v4 =	vadd.s32 v1, v4;
	_ =	sdelay $0x1  }
0x7b: {  	v3 =	vadd.s32 v1, v3;
	_ =	sdelay $0x2  }
0x7c: {  	[tilespmem:s7], [sflag:$0x2] =	stream.indirect_vreg.gather [hbm4b:s2+s3], $0x80, v4, vm0, $0xb8;
	[tilespmem:$0x11000] =	vst v63  }
0x7d: {  	_ = 	snop  }
0x7e: {  	[tilespmem:s9], [sflag:$0x2] =	stream.indirect_vreg.gather [hbm4b:s2+s3], $0x80, v3, vm0, $0xb8;
	[tilespmem:$0x11000] =	vst v63  }
0x7f: {  	v3 =	vld [tilespmem:$0xA0];
	_ =	sdelay $0x4  }
0x80: {  	v58 =	vshll.u32 v3, $0x1  }
0x81: {  	v3 =	vand.u32 $0x7, v3;
	v4 =	vand.u32 $0xFFFFFFF0, v58  }
0x82: {  	v3 =	vor.u32 v3, v4  }
0x83: {  	v4 =	vperm.xlane v3, v0;
	_ =	sdelay $0x1  }
0x84: {  	v3 =	vperm.xlane v3, v2;
	v4 =	vadd.s32 v1, v4;
	_ =	sdelay $0x1  }
0x85: {  	v3 =	vadd.s32 v1, v3;
	_ =	sdelay $0x2  }
0x86: {  	[tilespmem:s10], [sflag:$0x2] =	stream.indirect_vreg.gather [hbm4b:s2+s3], $0x80, v4, vm0, $0xb8;
	[tilespmem:$0x11000] =	vst v63  }
0x87: {  	_ = 	snop  }
0x88: {  	[tilespmem:s11], [sflag:$0x2] =	stream.indirect_vreg.gather [hbm4b:s2+s3], $0x80, v3, vm0, $0xb8;
	[tilespmem:$0x11000] =	vst v63  }
0x89: {  	v3 =	vld [tilespmem:$0xB0];
	_ =	sdelay $0x4  }
0x8a: {  	v59 =	vshll.u32 v3, $0x1  }
0x8b: {  	v3 =	vand.u32 $0x7, v3;
	v4 =	vand.u32 $0xFFFFFFF0, v59  }
0x8c: {  	v3 =	vor.u32 v3, v4  }
0x8d: {  	v4 =	vperm.xlane v3, v0;
	_ =	sdelay $0x1  }
0x8e: {  	v3 =	vperm.xlane v3, v2;
	v4 =	vadd.s32 v1, v4;
	_ =	sdelay $0x1  }
0x8f: {  	v3 =	vadd.s32 v1, v3;
	_ =	sdelay $0x2  }
0x90: {  	[tilespmem:s8], [sflag:$0x2] =	stream.indirect_vreg.gather [hbm4b:s2+s3], $0x80, v4, vm0, $0xb8;
	[tilespmem:$0x11000] =	vst v63  }
0x91: {  	_ = 	snop  }
0x92: {  	[tilespmem:s31], [sflag:$0x2] =	stream.indirect_vreg.gather [hbm4b:s2+s3], $0x80, v3, vm0, $0xb8;
	[tilespmem:$0x11000] =	vst v63  }
0x93: {  	v3 =	vld [tilespmem:$0xC0];
	_ =	sdelay $0x4  }
0x94: {  	v60 =	vshll.u32 v3, $0x1  }
0x95: {  	v3 =	vand.u32 $0x7, v3;
	v4 =	vand.u32 $0xFFFFFFF0, v60  }
0x96: {  	v3 =	vor.u32 v3, v4  }
0x97: {  	v4 =	vperm.xlane v3, v0;
	_ =	sdelay $0x1  }
0x98: {  	v3 =	vperm.xlane v3, v2;
	v4 =	vadd.s32 v1, v4;
	_ =	sdelay $0x1  }
0x99: {  	v3 =	vadd.s32 v1, v3;
	_ =	sdelay $0x1  }
0x9a: {  	s20 =	simm.s32 $0xD000  }
0x9b: {  	[tilespmem:s20], [sflag:$0x2] =	stream.indirect_vreg.gather [hbm4b:s2+s3], $0x80, v4, vm0, $0xb8;
	[tilespmem:$0x11000] =	vst v63  }
0x9c: {  	s21 =	simm.s32 $0xD800  }
0x9d: {  	[tilespmem:s21], [sflag:$0x2] =	stream.indirect_vreg.gather [hbm4b:s2+s3], $0x80, v3, vm0, $0xb8;
	[tilespmem:$0x11000] =	vst v63  }
0x9e: {  	v3 =	vld [tilespmem:$0xD0];
	_ =	sdelay $0x4  }
0x9f: {  	v61 =	vshll.u32 v3, $0x1  }
0xa0: {  	v3 =	vand.u32 $0x7, v3;
	v4 =	vand.u32 $0xFFFFFFF0, v61  }
0xa1: {  	v3 =	vor.u32 v3, v4  }
0xa2: {  	v4 =	vperm.xlane v3, v0;
	_ =	sdelay $0x1  }
0xa3: {  	v3 =	vperm.xlane v3, v2;
	v4 =	vadd.s32 v1, v4;
	_ =	sdelay $0x1  }
0xa4: {  	v3 =	vadd.s32 v1, v3;
	_ =	sdelay $0x1  }
0xa5: {  	s22 =	simm.s32 $0xE000  }
0xa6: {  	[tilespmem:s22], [sflag:$0x2] =	stream.indirect_vreg.gather [hbm4b:s2+s3], $0x80, v4, vm0, $0xb8;
	[tilespmem:$0x11000] =	vst v63  }
0xa7: {  	s23 =	simm.s32 $0xE800  }
0xa8: {  	[tilespmem:s23], [sflag:$0x2] =	stream.indirect_vreg.gather [hbm4b:s2+s3], $0x80, v3, vm0, $0xb8;
	[tilespmem:$0x11000] =	vst v63  }
0xa9: {  	v3 =	vld [tilespmem:$0xE0];
	_ =	sdelay $0x4  }
0xaa: {  	v62 =	vshll.u32 v3, $0x1  }
0xab: {  	v3 =	vand.u32 $0x7, v3;
	v4 =	vand.u32 $0xFFFFFFF0, v62  }
0xac: {  	v3 =	vor.u32 v3, v4  }
0xad: {  	v4 =	vperm.xlane v3, v0;
	_ =	sdelay $0x1  }
0xae: {  	v3 =	vperm.xlane v3, v2;
	v4 =	vadd.s32 v1, v4;
	_ =	sdelay $0x1  }
0xaf: {  	v3 =	vadd.s32 v1, v3;
	_ =	sdelay $0x1  }
0xb0: {  	s25 =	simm.s32 $0xF000  }
0xb1: {  	[tilespmem:s25], [sflag:$0x2] =	stream.indirect_vreg.gather [hbm4b:s2+s3], $0x80, v4, vm0, $0xb8;
	[tilespmem:$0x11000] =	vst v63  }
0xb2: {  	s26 =	simm.s32 $0xF800  }
0xb3: {  	[tilespmem:s26], [sflag:$0x2] =	stream.indirect_vreg.gather [hbm4b:s2+s3], $0x80, v3, vm0, $0xb8;
	[tilespmem:$0x11000] =	vst v63  }
0xb4: {  	v3 =	vld [tilespmem:$0xF0];
	_ =	sdelay $0x4  }
0xb5: {  	v63 =	vshll.u32 v3, $0x1  }
0xb6: {  	v3 =	vand.u32 $0x7, v3;
	v4 =	vand.u32 $0xFFFFFFF0, v63  }
0xb7: {  	v3 =	vor.u32 v3, v4  }
0xb8: {  	s16 =	rddreg [dreg:$0x6];
	v4 =	vperm.xlane v3, v0  }
0xb9: {  	s30 =	simm.s32 $0x6000;
	s17 =	simm.s32 $0x0;
	s19 =	simm.s32 $0x10800  }
0xba: {  	s28 =	simm.s32 $0x5000;
	s29 =	simm.s32 $0x5800;
	s0 =	simm.s32 $0x7000;
	v3 =	vperm.xlane v3, v2;
	v4 =	vadd.s32 v1, v4  }
0xbb: {  	s1 =	simm.s32 $0x7800;
	s4 =	simm.s32 $0x8000;
	s5 =	simm.s32 $0x8800  }
0xbc: {  	s6 =	simm.s32 $0x9800;
	s7 =	simm.s32 $0xA000;
	s9 =	simm.s32 $0xA800;
	v3 =	vadd.s32 v1, v3  }
0xbd: {  	s10 =	simm.s32 $0xB000;
	s11 =	simm.s32 $0xB800;
	s8 =	simm.s32 $0xC000  }
0xbe: {  	s31 =	simm.s32 $0x10000;
	s20 =	simm.s32 $0x2000;
	s21 =	simm.s32 $0x1000  }
0xbf: {  	[tilespmem:s31], [sflag:$0x2] =	stream.indirect_vreg.gather [hbm4b:s2+s3], $0x80, v4, vm0, $0xb8;
	[tilespmem:$0x11000] =	vst v63  }
0xc0: {  	s22 =	simm.s32 $0x3000;
	s25 =	simm.s32 $0x4000;
	s26 =	simm.s32 $0xC800  }
0xc1: {  	[tilespmem:s19], [sflag:$0x2] =	stream.indirect_vreg.gather [hbm4b:s2+s3], $0x80, v3, vm0, $0xb8;
	[tilespmem:$0x11000] =	vst v63  }
.LBB2_2:
0xc2: {  	_ =	swait.ge [sflag:s12], $0x8000  }
0xc3: {  	[sflag:s12] =	ssyncset.done $0x0  }
0xc4: {  	[sflag:s12] =	ssyncadd.s32 $0xFFFF8000  }
0xc5: {  	[hbm4b:s16+s3] =	stream.linear.scatter [tilespmem:s21], [sflag:$0x3], $0x8000, $0x38;
	[tilespmem:$0x11000] =	vst v63  }
0xc6: {  	_ =	swait.ge [sflag:s13], $0x8000  }
0xc7: {  	[sflag:s13] =	ssyncset.done $0x0  }
0xc8: {  	s18 =	sadd.s32 $0x1000, s16;
	[sflag:s13] =	ssyncadd.s32 $0xFFFF8000  }
0xc9: {  	[hbm4b:s18+s3] =	stream.linear.scatter [tilespmem:s24], [sflag:$0x4], $0x8000, $0x38;
	[tilespmem:$0x11000] =	vst v63  }
0xca: {  	_ =	swait.ge [sflag:s14], $0x8000  }
0xcb: {  	s23 =	smin.u32 s17, $0x1D;
	[sflag:s14] =	ssyncset.done $0x0  }
0xcc: {  	s18 =	sshll.u32 s23, $0x7;
	[sflag:s14] =	ssyncadd.s32 $0xFFFF8000  }
0xcd: {  	v3 =	vld [tilespmem:s18+$0x100];
	_ =	sdelay $0x4  }
0xce: {  	v4 =	vshll.u32 v3, $0x1  }
0xcf: {  	v3 =	vand.u32 $0x7, v3;
	v4 =	vand.u32 $0xFFFFFFF0, v4  }
0xd0: {  	v3 =	vor.u32 v3, v4  }
0xd1: {  	v4 =	vperm.xlane v3, v0;
	_ =	sdelay $0x1  }
0xd2: {  	v3 =	vperm.xlane v3, v2;
	v4 =	vadd.s32 v1, v4;
	_ =	sdelay $0x1  }
0xd3: {  	v3 =	vadd.s32 v1, v3;
	_ =	sdelay $0x2  }
0xd4: {  	[tilespmem:s21], [sflag:$0x1] =	stream.indirect_vreg.gather [hbm4b:s2+s3], $0x80, v4, vm0, $0xb8;
	[tilespmem:$0x11000] =	vst v63  }
0xd5: {  	s23 =	simm.s32 $0x1800  }
0xd6: {  	[tilespmem:s23], [sflag:$0x1] =	stream.indirect_vreg.gather [hbm4b:s2+s3], $0x80, v3, vm0, $0xb8;
	[tilespmem:$0x11000] =	vst v63  }
0xd7: {  	v3 =	vld [tilespmem:s18+$0x110];
	_ =	sdelay $0x4  }
0xd8: {  	v49 =	vshll.u32 v3, $0x1  }
0xd9: {  	v3 =	vand.u32 $0x7, v3;
	v4 =	vand.u32 $0xFFFFFFF0, v49  }
0xda: {  	v3 =	vor.u32 v3, v4  }
0xdb: {  	v4 =	vperm.xlane v3, v0;
	_ =	sdelay $0x1  }
0xdc: {  	v3 =	vperm.xlane v3, v2;
	v4 =	vadd.s32 v1, v4;
	_ =	sdelay $0x1  }
0xdd: {  	v3 =	vadd.s32 v1, v3;
	_ =	sdelay $0x2  }
0xde: {  	[tilespmem:s20], [sflag:$0x1] =	stream.indirect_vreg.gather [hbm4b:s2+s3], $0x80, v4, vm0, $0xb8;
	[tilespmem:$0x11000] =	vst v63  }
0xdf: {  	s23 =	simm.s32 $0x2800  }
0xe0: {  	[tilespmem:s23], [sflag:$0x1] =	stream.indirect_vreg.gather [hbm4b:s2+s3], $0x80, v3, vm0, $0xb8;
	[tilespmem:$0x11000] =	vst v63  }
0xe1: {  	v3 =	vld [tilespmem:s18+$0x120];
	_ =	sdelay $0x4  }
0xe2: {  	v50 =	vshll.u32 v3, $0x1  }
0xe3: {  	v3 =	vand.u32 $0x7, v3;
	v4 =	vand.u32 $0xFFFFFFF0, v50  }
0xe4: {  	v3 =	vor.u32 v3, v4  }
0xe5: {  	v4 =	vperm.xlane v3, v0;
	_ =	sdelay $0x1  }
0xe6: {  	v3 =	vperm.xlane v3, v2;
	v4 =	vadd.s32 v1, v4;
	_ =	sdelay $0x1  }
0xe7: {  	v3 =	vadd.s32 v1, v3;
	_ =	sdelay $0x2  }
0xe8: {  	[tilespmem:s22], [sflag:$0x1] =	stream.indirect_vreg.gather [hbm4b:s2+s3], $0x80, v4, vm0, $0xb8;
	[tilespmem:$0x11000] =	vst v63  }
0xe9: {  	s23 =	simm.s32 $0x3800  }
0xea: {  	[tilespmem:s23], [sflag:$0x1] =	stream.indirect_vreg.gather [hbm4b:s2+s3], $0x80, v3, vm0, $0xb8;
	[tilespmem:$0x11000] =	vst v63  }
0xeb: {  	v3 =	vld [tilespmem:s18+$0x130];
	_ =	sdelay $0x4  }
0xec: {  	v51 =	vshll.u32 v3, $0x1  }
0xed: {  	v3 =	vand.u32 $0x7, v3;
	v4 =	vand.u32 $0xFFFFFFF0, v51  }
0xee: {  	v3 =	vor.u32 v3, v4  }
0xef: {  	v4 =	vperm.xlane v3, v0;
	_ =	sdelay $0x1  }
0xf0: {  	v3 =	vperm.xlane v3, v2;
	v4 =	vadd.s32 v1, v4;
	_ =	sdelay $0x1  }
0xf1: {  	v3 =	vadd.s32 v1, v3;
	_ =	sdelay $0x2  }
0xf2: {  	[tilespmem:s25], [sflag:$0x1] =	stream.indirect_vreg.gather [hbm4b:s2+s3], $0x80, v4, vm0, $0xb8;
	[tilespmem:$0x11000] =	vst v63  }
0xf3: {  	s23 =	simm.s32 $0x4800  }
0xf4: {  	[tilespmem:s23], [sflag:$0x1] =	stream.indirect_vreg.gather [hbm4b:s2+s3], $0x80, v3, vm0, $0xb8;
	[tilespmem:$0x11000] =	vst v63  }
0xf5: {  	v3 =	vld [tilespmem:s18+$0x140];
	_ =	sdelay $0x4  }
0xf6: {  	v52 =	vshll.u32 v3, $0x1  }
0xf7: {  	v3 =	vand.u32 $0x7, v3;
	v4 =	vand.u32 $0xFFFFFFF0, v52  }
0xf8: {  	v3 =	vor.u32 v3, v4  }
0xf9: {  	v4 =	vperm.xlane v3, v0;
	_ =	sdelay $0x1  }
0xfa: {  	v3 =	vperm.xlane v3, v2;
	v4 =	vadd.s32 v1, v4;
	_ =	sdelay $0x1  }
0xfb: {  	v3 =	vadd.s32 v1, v3;
	_ =	sdelay $0x2  }
0xfc: {  	[tilespmem:s28], [sflag:$0x1] =	stream.indirect_vreg.gather [hbm4b:s2+s3], $0x80, v4, vm0, $0xb8;
	[tilespmem:$0x11000] =	vst v63  }
0xfd: {  	_ = 	snop  }
0xfe: {  	[tilespmem:s29], [sflag:$0x1] =	stream.indirect_vreg.gather [hbm4b:s2+s3], $0x80, v3, vm0, $0xb8;
	[tilespmem:$0x11000] =	vst v63  }
0xff: {  	v3 =	vld [tilespmem:s18+$0x150];
	_ =	sdelay $0x4  }
0x100: {  	v53 =	vshll.u32 v3, $0x1  }
0x101: {  	v3 =	vand.u32 $0x7, v3;
	v4 =	vand.u32 $0xFFFFFFF0, v53  }
0x102: {  	v3 =	vor.u32 v3, v4  }
0x103: {  	v4 =	vperm.xlane v3, v0;
	_ =	sdelay $0x1  }
0x104: {  	v3 =	vperm.xlane v3, v2;
	v4 =	vadd.s32 v1, v4;
	_ =	sdelay $0x1  }
0x105: {  	v3 =	vadd.s32 v1, v3;
	_ =	sdelay $0x2  }
0x106: {  	[tilespmem:s30], [sflag:$0x1] =	stream.indirect_vreg.gather [hbm4b:s2+s3], $0x80, v4, vm0, $0xb8;
	[tilespmem:$0x11000] =	vst v63  }
0x107: {  	s23 =	simm.s32 $0x6800  }
0x108: {  	[tilespmem:s23], [sflag:$0x1] =	stream.indirect_vreg.gather [hbm4b:s2+s3], $0x80, v3, vm0, $0xb8;
	[tilespmem:$0x11000] =	vst v63  }
0x109: {  	v3 =	vld [tilespmem:s18+$0x160];
	_ =	sdelay $0x4  }
0x10a: {  	v54 =	vshll.u32 v3, $0x1  }
0x10b: {  	v3 =	vand.u32 $0x7, v3;
	v4 =	vand.u32 $0xFFFFFFF0, v54  }
0x10c: {  	v3 =	vor.u32 v3, v4  }
0x10d: {  	v4 =	vperm.xlane v3, v0;
	_ =	sdelay $0x1  }
0x10e: {  	v3 =	vperm.xlane v3, v2;
	v4 =	vadd.s32 v1, v4;
	_ =	sdelay $0x1  }
0x10f: {  	v3 =	vadd.s32 v1, v3;
	_ =	sdelay $0x2  }
0x110: {  	[tilespmem:s0], [sflag:$0x1] =	stream.indirect_vreg.gather [hbm4b:s2+s3], $0x80, v4, vm0, $0xb8;
	[tilespmem:$0x11000] =	vst v63  }
0x111: {  	_ = 	snop  }
0x112: {  	[tilespmem:s1], [sflag:$0x1] =	stream.indirect_vreg.gather [hbm4b:s2+s3], $0x80, v3, vm0, $0xb8;
	[tilespmem:$0x11000] =	vst v63  }
0x113: {  	v3 =	vld [tilespmem:s18+$0x170];
	_ =	sdelay $0x4  }
0x114: {  	v55 =	vshll.u32 v3, $0x1  }
0x115: {  	v3 =	vand.u32 $0x7, v3;
	v4 =	vand.u32 $0xFFFFFFF0, v55  }
0x116: {  	v3 =	vor.u32 v3, v4  }
0x117: {  	v4 =	vperm.xlane v3, v0;
	_ =	sdelay $0x1  }
0x118: {  	v3 =	vperm.xlane v3, v2;
	v4 =	vadd.s32 v1, v4;
	_ =	sdelay $0x1  }
0x119: {  	v3 =	vadd.s32 v1, v3;
	_ =	sdelay $0x2  }
0x11a: {  	[tilespmem:s4], [sflag:$0x1] =	stream.indirect_vreg.gather [hbm4b:s2+s3], $0x80, v4, vm0, $0xb8;
	[tilespmem:$0x11000] =	vst v63  }
0x11b: {  	_ = 	snop  }
0x11c: {  	[tilespmem:s5], [sflag:$0x1] =	stream.indirect_vreg.gather [hbm4b:s2+s3], $0x80, v3, vm0, $0xb8;
	[tilespmem:$0x11000] =	vst v63  }
0x11d: {  	_ =	swait.ge [sflag:s15], $0x8000  }
0x11e: {  	s23 =	smin.u32 s17, $0x1C;
	[sflag:s15] =	ssyncset.done $0x0  }
0x11f: {  	s18 =	sshll.u32 s23, $0x7;
	[sflag:s15] =	ssyncadd.s32 $0xFFFF8000  }
0x120: {  	v3 =	vld [tilespmem:s18+$0x180];
	_ =	sdelay $0x4  }
0x121: {  	v56 =	vshll.u32 v3, $0x1  }
0x122: {  	v3 =	vand.u32 $0x7, v3;
	v4 =	vand.u32 $0xFFFFFFF0, v56  }
0x123: {  	v3 =	vor.u32 v3, v4  }
0x124: {  	v4 =	vperm.xlane v3, v0;
	_ =	sdelay $0x1  }
0x125: {  	v3 =	vperm.xlane v3, v2;
	v4 =	vadd.s32 v1, v4;
	_ =	sdelay $0x1  }
0x126: {  	v3 =	vadd.s32 v1, v3;
	_ =	sdelay $0x2  }
0x127: {  	[tilespmem:s24], [sflag:$0x2] =	stream.indirect_vreg.gather [hbm4b:s2+s3], $0x80, v4, vm0, $0xb8;
	[tilespmem:$0x11000] =	vst v63  }
0x128: {  	_ = 	snop  }
0x129: {  	[tilespmem:s6], [sflag:$0x2] =	stream.indirect_vreg.gather [hbm4b:s2+s3], $0x80, v3, vm0, $0xb8;
	[tilespmem:$0x11000] =	vst v63  }
0x12a: {  	v3 =	vld [tilespmem:s18+$0x190];
	_ =	sdelay $0x4  }
0x12b: {  	v57 =	vshll.u32 v3, $0x1  }
0x12c: {  	v3 =	vand.u32 $0x7, v3;
	v4 =	vand.u32 $0xFFFFFFF0, v57  }
0x12d: {  	v3 =	vor.u32 v3, v4  }
0x12e: {  	v4 =	vperm.xlane v3, v0;
	_ =	sdelay $0x1  }
0x12f: {  	v3 =	vperm.xlane v3, v2;
	v4 =	vadd.s32 v1, v4;
	_ =	sdelay $0x1  }
0x130: {  	v3 =	vadd.s32 v1, v3;
	_ =	sdelay $0x2  }
0x131: {  	[tilespmem:s7], [sflag:$0x2] =	stream.indirect_vreg.gather [hbm4b:s2+s3], $0x80, v4, vm0, $0xb8;
	[tilespmem:$0x11000] =	vst v63  }
0x132: {  	_ = 	snop  }
0x133: {  	[tilespmem:s9], [sflag:$0x2] =	stream.indirect_vreg.gather [hbm4b:s2+s3], $0x80, v3, vm0, $0xb8;
	[tilespmem:$0x11000] =	vst v63  }
0x134: {  	v3 =	vld [tilespmem:s18+$0x1A0];
	_ =	sdelay $0x4  }
0x135: {  	v58 =	vshll.u32 v3, $0x1  }
0x136: {  	v3 =	vand.u32 $0x7, v3;
	v4 =	vand.u32 $0xFFFFFFF0, v58  }
0x137: {  	v3 =	vor.u32 v3, v4  }
0x138: {  	v4 =	vperm.xlane v3, v0;
	_ =	sdelay $0x1  }
0x139: {  	v3 =	vperm.xlane v3, v2;
	v4 =	vadd.s32 v1, v4;
	_ =	sdelay $0x1  }
0x13a: {  	v3 =	vadd.s32 v1, v3;
	_ =	sdelay $0x2  }
0x13b: {  	[tilespmem:s10], [sflag:$0x2] =	stream.indirect_vreg.gather [hbm4b:s2+s3], $0x80, v4, vm0, $0xb8;
	[tilespmem:$0x11000] =	vst v63  }
0x13c: {  	_ = 	snop  }
0x13d: {  	[tilespmem:s11], [sflag:$0x2] =	stream.indirect_vreg.gather [hbm4b:s2+s3], $0x80, v3, vm0, $0xb8;
	[tilespmem:$0x11000] =	vst v63  }
0x13e: {  	v3 =	vld [tilespmem:s18+$0x1B0];
	_ =	sdelay $0x4  }
0x13f: {  	v59 =	vshll.u32 v3, $0x1  }
0x140: {  	v3 =	vand.u32 $0x7, v3;
	v4 =	vand.u32 $0xFFFFFFF0, v59  }
0x141: {  	v3 =	vor.u32 v3, v4  }
0x142: {  	v4 =	vperm.xlane v3, v0;
	_ =	sdelay $0x1  }
0x143: {  	v3 =	vperm.xlane v3, v2;
	v4 =	vadd.s32 v1, v4;
	_ =	sdelay $0x1  }
0x144: {  	v3 =	vadd.s32 v1, v3;
	_ =	sdelay $0x2  }
0x145: {  	[tilespmem:s8], [sflag:$0x2] =	stream.indirect_vreg.gather [hbm4b:s2+s3], $0x80, v4, vm0, $0xb8;
	[tilespmem:$0x11000] =	vst v63  }
0x146: {  	_ = 	snop  }
0x147: {  	[tilespmem:s26], [sflag:$0x2] =	stream.indirect_vreg.gather [hbm4b:s2+s3], $0x80, v3, vm0, $0xb8;
	[tilespmem:$0x11000] =	vst v63  }
0x148: {  	v3 =	vld [tilespmem:s18+$0x1C0];
	_ =	sdelay $0x4  }
0x149: {  	v60 =	vshll.u32 v3, $0x1  }
0x14a: {  	v3 =	vand.u32 $0x7, v3;
	v4 =	vand.u32 $0xFFFFFFF0, v60  }
0x14b: {  	v3 =	vor.u32 v3, v4  }
0x14c: {  	v4 =	vperm.xlane v3, v0;
	_ =	sdelay $0x1  }
0x14d: {  	v3 =	vperm.xlane v3, v2;
	v4 =	vadd.s32 v1, v4;
	_ =	sdelay $0x1  }
0x14e: {  	v3 =	vadd.s32 v1, v3;
	_ =	sdelay $0x1  }
0x14f: {  	s23 =	simm.s32 $0xD000  }
0x150: {  	[tilespmem:s23], [sflag:$0x2] =	stream.indirect_vreg.gather [hbm4b:s2+s3], $0x80, v4, vm0, $0xb8;
	[tilespmem:$0x11000] =	vst v63  }
0x151: {  	s23 =	simm.s32 $0xD800  }
0x152: {  	[tilespmem:s23], [sflag:$0x2] =	stream.indirect_vreg.gather [hbm4b:s2+s3], $0x80, v3, vm0, $0xb8;
	[tilespmem:$0x11000] =	vst v63  }
0x153: {  	v3 =	vld [tilespmem:s18+$0x1D0];
	_ =	sdelay $0x4  }
0x154: {  	v61 =	vshll.u32 v3, $0x1  }
0x155: {  	v3 =	vand.u32 $0x7, v3;
	v4 =	vand.u32 $0xFFFFFFF0, v61  }
0x156: {  	v3 =	vor.u32 v3, v4  }
0x157: {  	v4 =	vperm.xlane v3, v0;
	_ =	sdelay $0x1  }
0x158: {  	v3 =	vperm.xlane v3, v2;
	v4 =	vadd.s32 v1, v4;
	_ =	sdelay $0x1  }
0x159: {  	v3 =	vadd.s32 v1, v3;
	_ =	sdelay $0x1  }
0x15a: {  	s23 =	simm.s32 $0xE000  }
0x15b: {  	[tilespmem:s23], [sflag:$0x2] =	stream.indirect_vreg.gather [hbm4b:s2+s3], $0x80, v4, vm0, $0xb8;
	[tilespmem:$0x11000] =	vst v63  }
0x15c: {  	s23 =	simm.s32 $0xE800  }
0x15d: {  	[tilespmem:s23], [sflag:$0x2] =	stream.indirect_vreg.gather [hbm4b:s2+s3], $0x80, v3, vm0, $0xb8;
	[tilespmem:$0x11000] =	vst v63  }
0x15e: {  	v3 =	vld [tilespmem:s18+$0x1E0];
	_ =	sdelay $0x4  }
0x15f: {  	v62 =	vshll.u32 v3, $0x1  }
0x160: {  	v3 =	vand.u32 $0x7, v3;
	v4 =	vand.u32 $0xFFFFFFF0, v62  }
0x161: {  	v3 =	vor.u32 v3, v4  }
0x162: {  	v4 =	vperm.xlane v3, v0;
	_ =	sdelay $0x1  }
0x163: {  	v3 =	vperm.xlane v3, v2;
	v4 =	vadd.s32 v1, v4;
	_ =	sdelay $0x1  }
0x164: {  	v3 =	vadd.s32 v1, v3;
	_ =	sdelay $0x1  }
0x165: {  	s23 =	simm.s32 $0xF000  }
0x166: {  	[tilespmem:s23], [sflag:$0x2] =	stream.indirect_vreg.gather [hbm4b:s2+s3], $0x80, v4, vm0, $0xb8;
	[tilespmem:$0x11000] =	vst v63  }
0x167: {  	s23 =	simm.s32 $0xF800  }
0x168: {  	[tilespmem:s23], [sflag:$0x2] =	stream.indirect_vreg.gather [hbm4b:s2+s3], $0x80, v3, vm0, $0xb8;
	[tilespmem:$0x11000] =	vst v63  }
0x169: {  	v3 =	vld [tilespmem:s18+$0x1F0];
	_ =	sdelay $0x4  }
0x16a: {  	v63 =	vshll.u32 v3, $0x1  }
0x16b: {  	v3 =	vand.u32 $0x7, v3;
	v4 =	vand.u32 $0xFFFFFFF0, v63  }
0x16c: {  	v3 =	vor.u32 v3, v4  }
0x16d: {  	v4 =	vperm.xlane v3, v0;
	_ =	sdelay $0x1  }
0x16e: {  	v3 =	vperm.xlane v3, v2;
	v4 =	vadd.s32 v1, v4;
	_ =	sdelay $0x1  }
0x16f: {  	p0 =	sne.s32 s17, $0x1E;
	v3 =	vadd.s32 v1, v3  }
.Ltmp0:
0x170: {  	_ = 	snop;
	(pc) =	sbr.rel @p0 .LBB2_2-.Ltmp0, $4  }
0x171: {  	_ = 	snop  }
0x172: {  	[tilespmem:s31], [sflag:$0x2] =	stream.indirect_vreg.gather [hbm4b:s2+s3], $0x80, v4, vm0, $0xb8;
	[tilespmem:$0x11000] =	vst v63  }
0x173: {  	s16 =	sadd.s32 $0x2000, s16;
	s17 =	sadd.s32 $0x2, s17  }
0x174: {  	[tilespmem:s19], [sflag:$0x2] =	stream.indirect_vreg.gather [hbm4b:s2+s3], $0x80, v3, vm0, $0xb8;
	[tilespmem:$0x11000] =	vst v63  }
0x175: {  	_ =	swait.ge [sflag:s12], $0x8000;
	s17 =	simm.s32 $0x1800  }
0x176: {  	s18 =	simm.s32 $0x2000;
	s19 =	simm.s32 $0x2800;
	[sflag:s12] =	ssyncset.done $0x0  }
0x177: {  	s20 =	simm.s32 $0x3000;
	s21 =	simm.s32 $0x3800;
	[sflag:s12] =	ssyncadd.s32 $0xFFFF8000  }
0x178: {  	s22 =	simm.s32 $0x4000;
	s23 =	simm.s32 $0x4800;
	_ =	swait.ge [sflag:s13], $0x8000  }
0x179: {  	s25 =	simm.s32 $0x5000;
	s26 =	simm.s32 $0x5800;
	s0 =	rddreg [dreg:$0x7]  }
0x17a: {  	s28 =	simm.s32 $0x6000;
	s16 =	rddreg [dreg:$0x5];
	s0 =	sadd.s32 $0x1, s0  }
0x17b: {  	s29 =	simm.s32 $0x6800;
	s1 =	simm.s32 $0x7800;
	p0 =	sne.s32 s0, s16  }
.Ltmp1:
0x17c: {  	s4 =	simm.s32 $0x8000;
	s5 =	simm.s32 $0x8800;
	(pc) =	sbr.rel @p0 .LBB2_1-.Ltmp1, $4  }
0x17d: {  	s6 =	simm.s32 $0x9800;
	s7 =	simm.s32 $0xA000;
	s9 =	simm.s32 $0xA800  }
0x17e: {  	s10 =	simm.s32 $0xB000;
	s11 =	simm.s32 $0xB800;
	s8 =	simm.s32 $0xC000  }
0x17f: {  	s30 =	simm.s32 $0x1000;
	s31 =	simm.s32 $0xC800;
	[sflag:s13] =	ssyncset.done $0x0  }
0x180: {  	[sflag:s13] =	ssyncadd.s32 $0xFFFF8000;
	[dreg:$0x7] =	wrdreg s0;
	s0 =	simm.s32 $0x7000  }
0x181: {  	_ =	sfence.sel $0x180000  }
0x182: {  	[bflag:$0x0] =	sbarrier.arrive $0xFFFF  }
0x183: {  	_ =	strace $0x90000047  }
0x184: {  	s0 =	stileid.u32;
	[bflag:$0x2] =	sbarrier.arrive $0xFFFF  }
0x185: {  	p0 =	sne.s32 s0, $0x0;
	s0 =	rddreg [dreg:$0x3]  }
0x186: {  	s0 =	sadd.s32 @!p0 $0x100000, s0  }
0x187: {  	[sflag:s0] =	ssyncadd.tile.s32 @!p0 $0x1;
	_ =	shalt  }
.Lfunc_end2:
_tile_overlayer_lowered:
.L_overlay_start_2:
0x188: {  	(tag) =	ssettag $0x2  }
0x189: {  	s0 =	rddreg [dreg:$0x0];
	s2 =	stileid.u32  }
0x18a: {  	s1 =	rddreg [dreg:$0x1];
	p0 =	sne.s32 s2, $0x0  }
0x18b: {  	s3 =	rddreg [dreg:$0x2];
	[bflag:$0x3] =	sbarrier.arrive $0xFFFF;
	s2 =	simm.s32 @!p0 $0x1C05  }
0x18c: {  	[timem:s3], [sflag:s2] =	dma.local @!p0 [hbm:s0], s1  }
0x18d: {  	s0 =	simm.s32 @!p0 $0x5  }
0x18e: {  	_ =	swait.ge @!p0 [sflag:s0], s1  }
0x18f: {  	s1 =	ssub.s32 @!p0 $0x0, s1;
	[sflag:s0] =	ssyncset.done @!p0 $0x0  }
0x190: {  	[sflag:s0] =	ssyncadd.s32 @!p0 s1  }
0x191: {  	[bflag:$0x3] =	sbarrier.arrive $0xFFFF  }
0x192: {  	_ =	shalt  }

</sc_bundles>
